<compile_context>
chip_gen: v7x
topology: tpu7x:2x2x1
jax: 0.10.2.dev20260603
libtpu: 0.0.44.dev20260713+nightly
codegen_flags: <defaults>
</compile_context>

<pallas_src>
import functools

import jax
import jax.numpy as jnp
from jax import lax
from jax.experimental import pallas as pl
from jax.experimental.pallas import tpu as pltpu
from jax.experimental.pallas import tpu_sc as plsc

D_MODEL = 768

_info = plsc.get_sparse_core_info()
NC, NS = _info.num_cores, _info.num_subcores
NW = NC * NS

CHUNK = 32
NBUF = 4
LAG = 2


def kernel(tokens, W_E):
    bsz, seq = tokens.shape
    n_tokens = bsz * seq
    b_per_w = n_tokens // NW
    w_per_row = seq // b_per_w
    n_chunks = b_per_w // CHUNK
    mesh = plsc.VectorSubcoreMesh(core_axis_name="c", subcore_axis_name="s")

    @functools.partial(
        pl.kernel,
        out_type=jax.ShapeDtypeStruct((bsz, seq, D_MODEL), jnp.float32),
        mesh=mesh,
        scratch_types=[
            pltpu.VMEM((b_per_w,), jnp.int32),
            [pltpu.VMEM((CHUNK, D_MODEL), jnp.float32) for _ in range(NBUF)],
            [pltpu.SemaphoreType.DMA for _ in range(NBUF)],
            [pltpu.SemaphoreType.DMA for _ in range(NBUF)],
        ],
    )
    def k(idx_hbm, table_hbm, out_hbm, idx_v, bufs, gsems, ssems):
        wid = lax.axis_index("s") * NC + lax.axis_index("c")
        row = wid // w_per_row
        soff = (wid % w_per_row) * b_per_w
        pltpu.sync_copy(idx_hbm.at[row, pl.ds(soff, b_per_w)], idx_v)

        def gather(c, b):
            return pltpu.async_copy(
                table_hbm.at[idx_v.at[pl.ds(c * CHUNK, CHUNK)]], bufs[b], gsems[b]
            )

        def gather_wait(b):
            pltpu.make_async_copy(
                table_hbm.at[idx_v.at[pl.ds(0, CHUNK)]], bufs[b], gsems[b]
            ).wait()

        def scatter(c, b):
            return pltpu.async_copy(
                bufs[b], out_hbm.at[row, pl.ds(soff + c * CHUNK, CHUNK)], ssems[b]
            )

        def scatter_wait(b):
            pltpu.make_async_copy(
                bufs[b], out_hbm.at[row, pl.ds(soff, CHUNK)], ssems[b]
            ).wait()

        for b in range(NBUF):
            gather(b, b)
        for c in range(LAG):
            gather_wait(c % NBUF)
            scatter(c, c % NBUF)

        @pl.loop(LAG, n_chunks - LAG, step=NBUF)
        def _(g):
            for u in range(NBUF):
                c = g + u
                b = (LAG + u) % NBUF
                fb = u % NBUF
                gather_wait(b)
                scatter(c, b)
                scatter_wait(fb)
                gather(c + (NBUF - LAG), fb)

        for c in range(n_chunks - LAG, n_chunks):
            b = c % NBUF
            gather_wait(b)
            scatter(c, b)
            scatter_wait((c - LAG) % NBUF)
        for c in range(n_chunks - LAG, n_chunks):
            scatter_wait(c % NBUF)

    return k(tokens, W_E)

# --- scband reference (transcript-rebuilt; emitter-appended) ---
"""Pipeline reference for scband-embed-8211977470484 (READ-ONLY COPY).

The authoritative reference and input builder live on the scoring server;
editing this copy changes nothing except your own understanding.
"""

import jax, jax.numpy as jnp
import numpy as np

D_VOCAB = 100000
D_MODEL = 768

def setup_inputs(seed: int = 0) -> dict:
    key = jax.random.key(seed)
    k_tok, k_we = jax.random.split(key)
    tokens = jax.random.randint(k_tok, (4, 4096), 0, D_VOCAB, dtype=jnp.int64) if jax.config.jax_enable_x64 else jax.random.randint(k_tok, (4, 4096), 0, D_VOCAB, dtype=jnp.int32)
    W_E = jax.random.normal(k_we, (D_VOCAB, D_MODEL), dtype=jnp.float32)
    return {"tokens": tokens, "W_E": W_E}

def reference(tokens, W_E):
    # Faithful translation of Embed.forward: embedded = self.W_E[tokens, :]
    embedded = jnp.take(W_E, tokens, axis=0)
    return embedded

if __name__ == "__main__":
    import jax
    _d = setup_inputs()
    print(jax.jit(kernel)(*tuple(_d.values())))

</pallas_src>

<mosaic_0001>
#map = affine_map<(d0, d1) -> (0, 0)>
#map1 = affine_map<(d0, d1) -> (0, 0, 0)>
module attributes {stable_mosaic.version = 14 : i64} {
  func.func @k(%arg0: i32, %arg1: i32, %arg2: memref<4x4096xi32, #tpu.memory_space<hbm>>, %arg3: memref<100000x768xf32, #tpu.memory_space<hbm>>, %arg4: memref<4x4096x768xf32, #tpu.memory_space<hbm>>, %arg5: memref<512xi32, #tpu.memory_space<vmem>>, %arg6: memref<32x768xf32, #tpu.memory_space<vmem>>, %arg7: memref<32x768xf32, #tpu.memory_space<vmem>>, %arg8: memref<32x768xf32, #tpu.memory_space<vmem>>, %arg9: memref<32x768xf32, #tpu.memory_space<vmem>>, %arg10: memref<!tpu.dma_semaphore, #tpu.memory_space<semaphore_mem>>, %arg11: memref<!tpu.dma_semaphore, #tpu.memory_space<semaphore_mem>>, %arg12: memref<!tpu.dma_semaphore, #tpu.memory_space<semaphore_mem>>, %arg13: memref<!tpu.dma_semaphore, #tpu.memory_space<semaphore_mem>>, %arg14: memref<!tpu.dma_semaphore, #tpu.memory_space<semaphore_mem>>, %arg15: memref<!tpu.dma_semaphore, #tpu.memory_space<semaphore_mem>>, %arg16: memref<!tpu.dma_semaphore, #tpu.memory_space<semaphore_mem>>, %arg17: memref<!tpu.dma_semaphore, #tpu.memory_space<semaphore_mem>>) attributes {dimension_semantics = [#tpu.dimension_semantics<core_parallel>, #tpu.dimension_semantics<subcore_parallel>], iteration_bounds = array<i64: 2, 16>, scalar_prefetch = 0 : i64, scratch_operands = 13 : i64, tpu.core_type = #tpu.core_type<sc_vector_subcore>, window_params = [{transform_indices = #map}, {transform_indices = #map}, {transform_indices = #map1}]} {
    %mul3A = arith.constant 2 : i32
    %mul3A_0 = arith.muli %arg1, %mul3A : i32
    %add3A = arith.addi %mul3A_0, %arg0 : i32
    %jit3A = arith.constant 8 : i32
    %div3A = arith.divsi %add3A, %jit3A : i32
    %sign3A = arith.constant 0 : i32
    %sign3A_1 = arith.cmpi sgt, %add3A, %sign3A : i32
    %sign3A_2 = arith.extui %sign3A_1 : i1 to i32
    %sign3A_3 = arith.constant 0 : i32
    %sign3A_4 = arith.cmpi slt, %add3A, %sign3A_3 : i32
    %sign3A_5 = arith.extui %sign3A_4 : i1 to i32
    %sign3A_6 = arith.subi %sign3A_2, %sign3A_5 : i32
    %sign3A_7 = arith.constant 0 : i32
    %sign3A_8 = arith.cmpi sgt, %jit3A, %sign3A_7 : i32
    %sign3A_9 = arith.extui %sign3A_8 : i1 to i32
    %sign3A_10 = arith.constant 0 : i32
    %sign3A_11 = arith.cmpi slt, %jit3A, %sign3A_10 : i32
    %sign3A_12 = arith.extui %sign3A_11 : i1 to i32
    %sign3A_13 = arith.subi %sign3A_9, %sign3A_12 : i32
    %ne3A = arith.cmpi ne, %sign3A_6, %sign3A_13 : i32
    %rem3A = arith.remsi %add3A, %jit3A : i32
    %ne3A_14 = arith.constant 0 : i32
    %ne3A_15 = arith.cmpi ne, %rem3A, %ne3A_14 : i32
    %and3A = arith.andi %ne3A, %ne3A_15 : i1
    %sub3A = arith.constant 1 : i32
    %sub3A_16 = arith.subi %div3A, %sub3A : i32
    %select_n3A = arith.select %and3A, %sub3A_16, %div3A : i32
    %jit3A_17 = arith.constant 8 : i32
    %eq3A = arith.constant 0 : i32
    %eq3A_18 = arith.cmpi eq, %jit3A_17, %eq3A : i32
    %jit3A_19 = arith.constant 1 : i32
    %select_n3A_20 = arith.select %eq3A_18, %jit3A_19, %jit3A_17 : i32
    %rem3A_21 = arith.remsi %add3A, %select_n3A_20 : i32
    %ne3A_22 = arith.constant 0 : i32
    %ne3A_23 = arith.cmpi ne, %rem3A_21, %ne3A_22 : i32
    %lt3A = arith.constant 0 : i32
    %lt3A_24 = arith.cmpi slt, %rem3A_21, %lt3A : i32
    %lt3A_25 = arith.constant 0 : i32
    %lt3A_26 = arith.cmpi slt, %select_n3A_20, %lt3A_25 : i32
    %ne3A_27 = arith.xori %lt3A_24, %lt3A_26 : i1
    %and3A_28 = arith.andi %ne3A_27, %ne3A_23 : i1
    %add3A_29 = arith.addi %rem3A_21, %select_n3A_20 : i32
    %select_n3A_30 = arith.select %and3A_28, %add3A_29, %rem3A_21 : i32
    %mul3A_31 = arith.constant 512 : i32
    %mul3A_32 = arith.muli %select_n3A_30, %mul3A_31 : i32
    "tpu.region"() ({
      %run_scoped3A = tpu.sem_alloc : memref<!tpu.dma_semaphore, #tpu.memory_space<semaphore_mem>>
      %dma_start3A_131 = tpu.memref_slice %arg2[%select_n3A, %mul3A_32] : memref<4x4096xi32, #tpu.memory_space<hbm>> -> memref<1x512xi32, #tpu.memory_space<hbm>>
      %dma_start3A_132 = tpu.memref_squeeze %dma_start3A_131 : memref<1x512xi32, #tpu.memory_space<hbm>> -> memref<512xi32, #tpu.memory_space<hbm>>
      %dma_start3A_133 = tpu.memref_slice %arg2[%select_n3A, %mul3A_32] : memref<4x4096xi32, #tpu.memory_space<hbm>> -> memref<1x512xi32, #tpu.memory_space<hbm>>
      %dma_start3A_134 = tpu.memref_squeeze %dma_start3A_133 : memref<1x512xi32, #tpu.memory_space<hbm>> -> memref<512xi32, #tpu.memory_space<hbm>>
      tpu.enqueue_dma source(%dma_start3A_134 : memref<512xi32, #tpu.memory_space<hbm>>) target(%arg5 : memref<512xi32, #tpu.memory_space<vmem>>) target_semaphore(%run_scoped3A : memref<!tpu.dma_semaphore, #tpu.memory_space<semaphore_mem>>)
      %dma_wait3A_135 = tpu.memref_slice %arg2[%select_n3A, %mul3A_32] : memref<4x4096xi32, #tpu.memory_space<hbm>> -> memref<1x512xi32, #tpu.memory_space<hbm>>
      %dma_wait3A_136 = tpu.memref_squeeze %dma_wait3A_135 : memref<1x512xi32, #tpu.memory_space<hbm>> -> memref<512xi32, #tpu.memory_space<hbm>>
      %dma_wait3A_137 = tpu.memref_slice %arg2[%select_n3A, %mul3A_32] : memref<4x4096xi32, #tpu.memory_space<hbm>> -> memref<1x512xi32, #tpu.memory_space<hbm>>
      %dma_wait3A_138 = tpu.memref_squeeze %dma_wait3A_137 : memref<1x512xi32, #tpu.memory_space<hbm>> -> memref<512xi32, #tpu.memory_space<hbm>>
      tpu.wait_dma2 semaphore(%run_scoped3A : memref<!tpu.dma_semaphore, #tpu.memory_space<semaphore_mem>>) src(%dma_wait3A_138 : memref<512xi32, #tpu.memory_space<hbm>>) dst(%arg5 : memref<512xi32, #tpu.memory_space<vmem>>)
      tpu.yield
    }) : () -> ()
    %dma_start3A = arith.constant 0 : i32
    %dma_start3A_33 = tpu.memref_slice %arg5[%dma_start3A] : memref<512xi32, #tpu.memory_space<vmem>> -> memref<32xi32, #tpu.memory_space<vmem>>
    %dma_start3A_34 = arith.constant 0 : i32
    %dma_start3A_35 = arith.constant 0 : i32
    %dma_start3A_36 = tpu.memref_slice %arg3[%dma_start3A_34, %dma_start3A_35] : memref<100000x768xf32, #tpu.memory_space<hbm>> -> memref<100000x768xf32, #tpu.memory_space<hbm>>
    tpu.enqueue_indirect_dma source(%dma_start3A_36 : memref<100000x768xf32, #tpu.memory_space<hbm>>) target(%arg6 : memref<32x768xf32, #tpu.memory_space<vmem>>) offsets(%dma_start3A_33 : memref<32xi32, #tpu.memory_space<vmem>>) semaphore(%arg10 : memref<!tpu.dma_semaphore, #tpu.memory_space<semaphore_mem>>)
    %dma_start3A_37 = arith.constant 32 : i32
    %dma_start3A_38 = tpu.memref_slice %arg5[%dma_start3A_37] : memref<512xi32, #tpu.memory_space<vmem>> -> memref<32xi32, #tpu.memory_space<vmem>>
    %dma_start3A_39 = arith.constant 0 : i32
    %dma_start3A_40 = arith.constant 0 : i32
    %dma_start3A_41 = tpu.memref_slice %arg3[%dma_start3A_39, %dma_start3A_40] : memref<100000x768xf32, #tpu.memory_space<hbm>> -> memref<100000x768xf32, #tpu.memory_space<hbm>>
    tpu.enqueue_indirect_dma source(%dma_start3A_41 : memref<100000x768xf32, #tpu.memory_space<hbm>>) target(%arg7 : memref<32x768xf32, #tpu.memory_space<vmem>>) offsets(%dma_start3A_38 : memref<32xi32, #tpu.memory_space<vmem>>) semaphore(%arg11 : memref<!tpu.dma_semaphore, #tpu.memory_space<semaphore_mem>>)
    %dma_start3A_42 = arith.constant 64 : i32
    %dma_start3A_43 = tpu.memref_slice %arg5[%dma_start3A_42] : memref<512xi32, #tpu.memory_space<vmem>> -> memref<32xi32, #tpu.memory_space<vmem>>
    %dma_start3A_44 = arith.constant 0 : i32
    %dma_start3A_45 = arith.constant 0 : i32
    %dma_start3A_46 = tpu.memref_slice %arg3[%dma_start3A_44, %dma_start3A_45] : memref<100000x768xf32, #tpu.memory_space<hbm>> -> memref<100000x768xf32, #tpu.memory_space<hbm>>
    tpu.enqueue_indirect_dma source(%dma_start3A_46 : memref<100000x768xf32, #tpu.memory_space<hbm>>) target(%arg8 : memref<32x768xf32, #tpu.memory_space<vmem>>) offsets(%dma_start3A_43 : memref<32xi32, #tpu.memory_space<vmem>>) semaphore(%arg12 : memref<!tpu.dma_semaphore, #tpu.memory_space<semaphore_mem>>)
    %dma_start3A_47 = arith.constant 96 : i32
    %dma_start3A_48 = tpu.memref_slice %arg5[%dma_start3A_47] : memref<512xi32, #tpu.memory_space<vmem>> -> memref<32xi32, #tpu.memory_space<vmem>>
    %dma_start3A_49 = arith.constant 0 : i32
    %dma_start3A_50 = arith.constant 0 : i32
    %dma_start3A_51 = tpu.memref_slice %arg3[%dma_start3A_49, %dma_start3A_50] : memref<100000x768xf32, #tpu.memory_space<hbm>> -> memref<100000x768xf32, #tpu.memory_space<hbm>>
    tpu.enqueue_indirect_dma source(%dma_start3A_51 : memref<100000x768xf32, #tpu.memory_space<hbm>>) target(%arg9 : memref<32x768xf32, #tpu.memory_space<vmem>>) offsets(%dma_start3A_48 : memref<32xi32, #tpu.memory_space<vmem>>) semaphore(%arg13 : memref<!tpu.dma_semaphore, #tpu.memory_space<semaphore_mem>>)
    %dma_wait3A = arith.constant 0 : i32
    %dma_wait3A_52 = tpu.memref_slice %arg5[%dma_wait3A] : memref<512xi32, #tpu.memory_space<vmem>> -> memref<32xi32, #tpu.memory_space<vmem>>
    %dma_wait3A_53 = arith.constant 0 : i32
    %dma_wait3A_54 = arith.constant 0 : i32
    %dma_wait3A_55 = tpu.memref_slice %arg3[%dma_wait3A_53, %dma_wait3A_54] : memref<100000x768xf32, #tpu.memory_space<hbm>> -> memref<100000x768xf32, #tpu.memory_space<hbm>>
    tpu.wait_indirect_dma semaphore(%arg10 : memref<!tpu.dma_semaphore, #tpu.memory_space<semaphore_mem>>) src(%dma_wait3A_55 : memref<100000x768xf32, #tpu.memory_space<hbm>>) dst(%arg6 : memref<32x768xf32, #tpu.memory_space<vmem>>)
    %add3A_56 = arith.constant 0 : i32
    %add3A_57 = arith.addi %mul3A_32, %add3A_56 : i32
    %dma_start3A_58 = arith.constant 0 : i32
    %dma_start3A_59 = tpu.memref_slice %arg4[%select_n3A, %add3A_57, %dma_start3A_58] : memref<4x4096x768xf32, #tpu.memory_space<hbm>> -> memref<1x32x768xf32, #tpu.memory_space<hbm>>
    %dma_start3A_60 = tpu.memref_squeeze %dma_start3A_59 : memref<1x32x768xf32, #tpu.memory_space<hbm>> -> memref<32x768xf32, #tpu.memory_space<hbm>>
    %dma_start3A_61 = arith.constant 0 : i32
    %dma_start3A_62 = tpu.memref_slice %arg4[%select_n3A, %add3A_57, %dma_start3A_61] : memref<4x4096x768xf32, #tpu.memory_space<hbm>> -> memref<1x32x768xf32, #tpu.memory_space<hbm>>
    %dma_start3A_63 = tpu.memref_squeeze %dma_start3A_62 : memref<1x32x768xf32, #tpu.memory_space<hbm>> -> memref<32x768xf32, #tpu.memory_space<hbm>>
    tpu.enqueue_dma source(%arg6 : memref<32x768xf32, #tpu.memory_space<vmem>>) target(%dma_start3A_63 : memref<32x768xf32, #tpu.memory_space<hbm>>) target_semaphore(%arg14 : memref<!tpu.dma_semaphore, #tpu.memory_space<semaphore_mem>>)
    %dma_wait3A_64 = arith.constant 0 : i32
    %dma_wait3A_65 = tpu.memref_slice %arg5[%dma_wait3A_64] : memref<512xi32, #tpu.memory_space<vmem>> -> memref<32xi32, #tpu.memory_space<vmem>>
    %dma_wait3A_66 = arith.constant 0 : i32
    %dma_wait3A_67 = arith.constant 0 : i32
    %dma_wait3A_68 = tpu.memref_slice %arg3[%dma_wait3A_66, %dma_wait3A_67] : memref<100000x768xf32, #tpu.memory_space<hbm>> -> memref<100000x768xf32, #tpu.memory_space<hbm>>
    tpu.wait_indirect_dma semaphore(%arg11 : memref<!tpu.dma_semaphore, #tpu.memory_space<semaphore_mem>>) src(%dma_wait3A_68 : memref<100000x768xf32, #tpu.memory_space<hbm>>) dst(%arg7 : memref<32x768xf32, #tpu.memory_space<vmem>>)
    %add3A_69 = arith.constant 32 : i32
    %add3A_70 = arith.addi %mul3A_32, %add3A_69 : i32
    %dma_start3A_71 = arith.constant 0 : i32
    %dma_start3A_72 = tpu.memref_slice %arg4[%select_n3A, %add3A_70, %dma_start3A_71] : memref<4x4096x768xf32, #tpu.memory_space<hbm>> -> memref<1x32x768xf32, #tpu.memory_space<hbm>>
    %dma_start3A_73 = tpu.memref_squeeze %dma_start3A_72 : memref<1x32x768xf32, #tpu.memory_space<hbm>> -> memref<32x768xf32, #tpu.memory_space<hbm>>
    %dma_start3A_74 = arith.constant 0 : i32
    %dma_start3A_75 = tpu.memref_slice %arg4[%select_n3A, %add3A_70, %dma_start3A_74] : memref<4x4096x768xf32, #tpu.memory_space<hbm>> -> memref<1x32x768xf32, #tpu.memory_space<hbm>>
    %dma_start3A_76 = tpu.memref_squeeze %dma_start3A_75 : memref<1x32x768xf32, #tpu.memory_space<hbm>> -> memref<32x768xf32, #tpu.memory_space<hbm>>
    tpu.enqueue_dma source(%arg7 : memref<32x768xf32, #tpu.memory_space<vmem>>) target(%dma_start3A_76 : memref<32x768xf32, #tpu.memory_space<hbm>>) target_semaphore(%arg15 : memref<!tpu.dma_semaphore, #tpu.memory_space<semaphore_mem>>)
    %scan3A = arith.constant 0 : i32
    %scan3A_77 = arith.constant 3 : i32
    %scan3A_78 = arith.addi %scan3A, %scan3A_77 : i32
    %scan3A_79 = arith.constant 1 : i32
    scf.for %scan3A_131 = %scan3A to %scan3A_78 step %scan3A_79  : i32 {
      %mul3A_132 = arith.constant 4 : i32
      %mul3A_133 = arith.muli %scan3A_131, %mul3A_132 : i32
      %add3A_134 = arith.constant 2 : i32
      %add3A_135 = arith.addi %add3A_134, %mul3A_133 : i32
      %add3A_136 = arith.constant 0 : i32
      %add3A_137 = arith.addi %add3A_135, %add3A_136 : i32
      %dma_wait3A_138 = arith.constant 0 : i32
      %dma_wait3A_139 = tpu.memref_slice %arg5[%dma_wait3A_138] : memref<512xi32, #tpu.memory_space<vmem>> -> memref<32xi32, #tpu.memory_space<vmem>>
      %dma_wait3A_140 = arith.constant 0 : i32
      %dma_wait3A_141 = arith.constant 0 : i32
      %dma_wait3A_142 = tpu.memref_slice %arg3[%dma_wait3A_140, %dma_wait3A_141] : memref<100000x768xf32, #tpu.memory_space<hbm>> -> memref<100000x768xf32, #tpu.memory_space<hbm>>
      tpu.wait_indirect_dma semaphore(%arg12 : memref<!tpu.dma_semaphore, #tpu.memory_space<semaphore_mem>>) src(%dma_wait3A_142 : memref<100000x768xf32, #tpu.memory_space<hbm>>) dst(%arg8 : memref<32x768xf32, #tpu.memory_space<vmem>>)
      %mul3A_143 = arith.constant 32 : i32
      %mul3A_144 = arith.muli %add3A_137, %mul3A_143 : i32
      %add3A_145 = arith.addi %mul3A_32, %mul3A_144 : i32
      %dma_start3A_146 = arith.constant 0 : i32
      %dma_start3A_147 = tpu.memref_slice %arg4[%select_n3A, %add3A_145, %dma_start3A_146] : memref<4x4096x768xf32, #tpu.memory_space<hbm>> -> memref<1x32x768xf32, #tpu.memory_space<hbm>>
      %dma_start3A_148 = tpu.memref_squeeze %dma_start3A_147 : memref<1x32x768xf32, #tpu.memory_space<hbm>> -> memref<32x768xf32, #tpu.memory_space<hbm>>
      %dma_start3A_149 = arith.constant 0 : i32
      %dma_start3A_150 = tpu.memref_slice %arg4[%select_n3A, %add3A_145, %dma_start3A_149] : memref<4x4096x768xf32, #tpu.memory_space<hbm>> -> memref<1x32x768xf32, #tpu.memory_space<hbm>>
      %dma_start3A_151 = tpu.memref_squeeze %dma_start3A_150 : memref<1x32x768xf32, #tpu.memory_space<hbm>> -> memref<32x768xf32, #tpu.memory_space<hbm>>
      tpu.enqueue_dma source(%arg8 : memref<32x768xf32, #tpu.memory_space<vmem>>) target(%dma_start3A_151 : memref<32x768xf32, #tpu.memory_space<hbm>>) target_semaphore(%arg16 : memref<!tpu.dma_semaphore, #tpu.memory_space<semaphore_mem>>)
      %dma_wait3A_152 = arith.constant 0 : i32
      %dma_wait3A_153 = tpu.memref_slice %arg4[%select_n3A, %mul3A_32, %dma_wait3A_152] : memref<4x4096x768xf32, #tpu.memory_space<hbm>> -> memref<1x32x768xf32, #tpu.memory_space<hbm>>
      %dma_wait3A_154 = tpu.memref_squeeze %dma_wait3A_153 : memref<1x32x768xf32, #tpu.memory_space<hbm>> -> memref<32x768xf32, #tpu.memory_space<hbm>>
      %dma_wait3A_155 = arith.constant 0 : i32
      %dma_wait3A_156 = tpu.memref_slice %arg4[%select_n3A, %mul3A_32, %dma_wait3A_155] : memref<4x4096x768xf32, #tpu.memory_space<hbm>> -> memref<1x32x768xf32, #tpu.memory_space<hbm>>
      %dma_wait3A_157 = tpu.memref_squeeze %dma_wait3A_156 : memref<1x32x768xf32, #tpu.memory_space<hbm>> -> memref<32x768xf32, #tpu.memory_space<hbm>>
      tpu.wait_dma2 semaphore(%arg14 : memref<!tpu.dma_semaphore, #tpu.memory_space<semaphore_mem>>) src(%arg6 : memref<32x768xf32, #tpu.memory_space<vmem>>) dst(%dma_wait3A_157 : memref<32x768xf32, #tpu.memory_space<hbm>>)
      %add3A_158 = arith.constant 2 : i32
      %add3A_159 = arith.addi %add3A_137, %add3A_158 : i32
      %mul3A_160 = arith.constant 32 : i32
      %mul3A_161 = arith.muli %add3A_159, %mul3A_160 : i32
      %dma_start3A_162 = tpu.memref_slice %arg5[%mul3A_161] : memref<512xi32, #tpu.memory_space<vmem>> -> memref<32xi32, #tpu.memory_space<vmem>>
      %dma_start3A_163 = arith.constant 0 : i32
      %dma_start3A_164 = arith.constant 0 : i32
      %dma_start3A_165 = tpu.memref_slice %arg3[%dma_start3A_163, %dma_start3A_164] : memref<100000x768xf32, #tpu.memory_space<hbm>> -> memref<100000x768xf32, #tpu.memory_space<hbm>>
      tpu.enqueue_indirect_dma source(%dma_start3A_165 : memref<100000x768xf32, #tpu.memory_space<hbm>>) target(%arg6 : memref<32x768xf32, #tpu.memory_space<vmem>>) offsets(%dma_start3A_162 : memref<32xi32, #tpu.memory_space<vmem>>) semaphore(%arg10 : memref<!tpu.dma_semaphore, #tpu.memory_space<semaphore_mem>>)
      %add3A_166 = arith.constant 1 : i32
      %add3A_167 = arith.addi %add3A_135, %add3A_166 : i32
      %dma_wait3A_168 = arith.constant 0 : i32
      %dma_wait3A_169 = tpu.memref_slice %arg5[%dma_wait3A_168] : memref<512xi32, #tpu.memory_space<vmem>> -> memref<32xi32, #tpu.memory_space<vmem>>
      %dma_wait3A_170 = arith.constant 0 : i32
      %dma_wait3A_171 = arith.constant 0 : i32
      %dma_wait3A_172 = tpu.memref_slice %arg3[%dma_wait3A_170, %dma_wait3A_171] : memref<100000x768xf32, #tpu.memory_space<hbm>> -> memref<100000x768xf32, #tpu.memory_space<hbm>>
      tpu.wait_indirect_dma semaphore(%arg13 : memref<!tpu.dma_semaphore, #tpu.memory_space<semaphore_mem>>) src(%dma_wait3A_172 : memref<100000x768xf32, #tpu.memory_space<hbm>>) dst(%arg9 : memref<32x768xf32, #tpu.memory_space<vmem>>)
      %mul3A_173 = arith.constant 32 : i32
      %mul3A_174 = arith.muli %add3A_167, %mul3A_173 : i32
      %add3A_175 = arith.addi %mul3A_32, %mul3A_174 : i32
      %dma_start3A_176 = arith.constant 0 : i32
      %dma_start3A_177 = tpu.memref_slice %arg4[%select_n3A, %add3A_175, %dma_start3A_176] : memref<4x4096x768xf32, #tpu.memory_space<hbm>> -> memref<1x32x768xf32, #tpu.memory_space<hbm>>
      %dma_start3A_178 = tpu.memref_squeeze %dma_start3A_177 : memref<1x32x768xf32, #tpu.memory_space<hbm>> -> memref<32x768xf32, #tpu.memory_space<hbm>>
      %dma_start3A_179 = arith.constant 0 : i32
      %dma_start3A_180 = tpu.memref_slice %arg4[%select_n3A, %add3A_175, %dma_start3A_179] : memref<4x4096x768xf32, #tpu.memory_space<hbm>> -> memref<1x32x768xf32, #tpu.memory_space<hbm>>
      %dma_start3A_181 = tpu.memref_squeeze %dma_start3A_180 : memref<1x32x768xf32, #tpu.memory_space<hbm>> -> memref<32x768xf32, #tpu.memory_space<hbm>>
      tpu.enqueue_dma source(%arg9 : memref<32x768xf32, #tpu.memory_space<vmem>>) target(%dma_start3A_181 : memref<32x768xf32, #tpu.memory_space<hbm>>) target_semaphore(%arg17 : memref<!tpu.dma_semaphore, #tpu.memory_space<semaphore_mem>>)
      %dma_wait3A_182 = arith.constant 0 : i32
      %dma_wait3A_183 = tpu.memref_slice %arg4[%select_n3A, %mul3A_32, %dma_wait3A_182] : memref<4x4096x768xf32, #tpu.memory_space<hbm>> -> memref<1x32x768xf32, #tpu.memory_space<hbm>>
      %dma_wait3A_184 = tpu.memref_squeeze %dma_wait3A_183 : memref<1x32x768xf32, #tpu.memory_space<hbm>> -> memref<32x768xf32, #tpu.memory_space<hbm>>
      %dma_wait3A_185 = arith.constant 0 : i32
      %dma_wait3A_186 = tpu.memref_slice %arg4[%select_n3A, %mul3A_32, %dma_wait3A_185] : memref<4x4096x768xf32, #tpu.memory_space<hbm>> -> memref<1x32x768xf32, #tpu.memory_space<hbm>>
      %dma_wait3A_187 = tpu.memref_squeeze %dma_wait3A_186 : memref<1x32x768xf32, #tpu.memory_space<hbm>> -> memref<32x768xf32, #tpu.memory_space<hbm>>
      tpu.wait_dma2 semaphore(%arg15 : memref<!tpu.dma_semaphore, #tpu.memory_space<semaphore_mem>>) src(%arg7 : memref<32x768xf32, #tpu.memory_space<vmem>>) dst(%dma_wait3A_187 : memref<32x768xf32, #tpu.memory_space<hbm>>)
      %add3A_188 = arith.constant 2 : i32
      %add3A_189 = arith.addi %add3A_167, %add3A_188 : i32
      %mul3A_190 = arith.constant 32 : i32
      %mul3A_191 = arith.muli %add3A_189, %mul3A_190 : i32
      %dma_start3A_192 = tpu.memref_slice %arg5[%mul3A_191] : memref<512xi32, #tpu.memory_space<vmem>> -> memref<32xi32, #tpu.memory_space<vmem>>
      %dma_start3A_193 = arith.constant 0 : i32
      %dma_start3A_194 = arith.constant 0 : i32
      %dma_start3A_195 = tpu.memref_slice %arg3[%dma_start3A_193, %dma_start3A_194] : memref<100000x768xf32, #tpu.memory_space<hbm>> -> memref<100000x768xf32, #tpu.memory_space<hbm>>
      tpu.enqueue_indirect_dma source(%dma_start3A_195 : memref<100000x768xf32, #tpu.memory_space<hbm>>) target(%arg7 : memref<32x768xf32, #tpu.memory_space<vmem>>) offsets(%dma_start3A_192 : memref<32xi32, #tpu.memory_space<vmem>>) semaphore(%arg11 : memref<!tpu.dma_semaphore, #tpu.memory_space<semaphore_mem>>)
      %add3A_196 = arith.constant 2 : i32
      %add3A_197 = arith.addi %add3A_135, %add3A_196 : i32
      %dma_wait3A_198 = arith.constant 0 : i32
      %dma_wait3A_199 = tpu.memref_slice %arg5[%dma_wait3A_198] : memref<512xi32, #tpu.memory_space<vmem>> -> memref<32xi32, #tpu.memory_space<vmem>>
      %dma_wait3A_200 = arith.constant 0 : i32
      %dma_wait3A_201 = arith.constant 0 : i32
      %dma_wait3A_202 = tpu.memref_slice %arg3[%dma_wait3A_200, %dma_wait3A_201] : memref<100000x768xf32, #tpu.memory_space<hbm>> -> memref<100000x768xf32, #tpu.memory_space<hbm>>
      tpu.wait_indirect_dma semaphore(%arg10 : memref<!tpu.dma_semaphore, #tpu.memory_space<semaphore_mem>>) src(%dma_wait3A_202 : memref<100000x768xf32, #tpu.memory_space<hbm>>) dst(%arg6 : memref<32x768xf32, #tpu.memory_space<vmem>>)
      %mul3A_203 = arith.constant 32 : i32
      %mul3A_204 = arith.muli %add3A_197, %mul3A_203 : i32
      %add3A_205 = arith.addi %mul3A_32, %mul3A_204 : i32
      %dma_start3A_206 = arith.constant 0 : i32
      %dma_start3A_207 = tpu.memref_slice %arg4[%select_n3A, %add3A_205, %dma_start3A_206] : memref<4x4096x768xf32, #tpu.memory_space<hbm>> -> memref<1x32x768xf32, #tpu.memory_space<hbm>>
      %dma_start3A_208 = tpu.memref_squeeze %dma_start3A_207 : memref<1x32x768xf32, #tpu.memory_space<hbm>> -> memref<32x768xf32, #tpu.memory_space<hbm>>
      %dma_start3A_209 = arith.constant 0 : i32
      %dma_start3A_210 = tpu.memref_slice %arg4[%select_n3A, %add3A_205, %dma_start3A_209] : memref<4x4096x768xf32, #tpu.memory_space<hbm>> -> memref<1x32x768xf32, #tpu.memory_space<hbm>>
      %dma_start3A_211 = tpu.memref_squeeze %dma_start3A_210 : memref<1x32x768xf32, #tpu.memory_space<hbm>> -> memref<32x768xf32, #tpu.memory_space<hbm>>
      tpu.enqueue_dma source(%arg6 : memref<32x768xf32, #tpu.memory_space<vmem>>) target(%dma_start3A_211 : memref<32x768xf32, #tpu.memory_space<hbm>>) target_semaphore(%arg14 : memref<!tpu.dma_semaphore, #tpu.memory_space<semaphore_mem>>)
      %dma_wait3A_212 = arith.constant 0 : i32
      %dma_wait3A_213 = tpu.memref_slice %arg4[%select_n3A, %mul3A_32, %dma_wait3A_212] : memref<4x4096x768xf32, #tpu.memory_space<hbm>> -> memref<1x32x768xf32, #tpu.memory_space<hbm>>
      %dma_wait3A_214 = tpu.memref_squeeze %dma_wait3A_213 : memref<1x32x768xf32, #tpu.memory_space<hbm>> -> memref<32x768xf32, #tpu.memory_space<hbm>>
      %dma_wait3A_215 = arith.constant 0 : i32
      %dma_wait3A_216 = tpu.memref_slice %arg4[%select_n3A, %mul3A_32, %dma_wait3A_215] : memref<4x4096x768xf32, #tpu.memory_space<hbm>> -> memref<1x32x768xf32, #tpu.memory_space<hbm>>
      %dma_wait3A_217 = tpu.memref_squeeze %dma_wait3A_216 : memref<1x32x768xf32, #tpu.memory_space<hbm>> -> memref<32x768xf32, #tpu.memory_space<hbm>>
      tpu.wait_dma2 semaphore(%arg16 : memref<!tpu.dma_semaphore, #tpu.memory_space<semaphore_mem>>) src(%arg8 : memref<32x768xf32, #tpu.memory_space<vmem>>) dst(%dma_wait3A_217 : memref<32x768xf32, #tpu.memory_space<hbm>>)
      %add3A_218 = arith.constant 2 : i32
      %add3A_219 = arith.addi %add3A_197, %add3A_218 : i32
      %mul3A_220 = arith.constant 32 : i32
      %mul3A_221 = arith.muli %add3A_219, %mul3A_220 : i32
      %dma_start3A_222 = tpu.memref_slice %arg5[%mul3A_221] : memref<512xi32, #tpu.memory_space<vmem>> -> memref<32xi32, #tpu.memory_space<vmem>>
      %dma_start3A_223 = arith.constant 0 : i32
      %dma_start3A_224 = arith.constant 0 : i32
      %dma_start3A_225 = tpu.memref_slice %arg3[%dma_start3A_223, %dma_start3A_224] : memref<100000x768xf32, #tpu.memory_space<hbm>> -> memref<100000x768xf32, #tpu.memory_space<hbm>>
      tpu.enqueue_indirect_dma source(%dma_start3A_225 : memref<100000x768xf32, #tpu.memory_space<hbm>>) target(%arg8 : memref<32x768xf32, #tpu.memory_space<vmem>>) offsets(%dma_start3A_222 : memref<32xi32, #tpu.memory_space<vmem>>) semaphore(%arg12 : memref<!tpu.dma_semaphore, #tpu.memory_space<semaphore_mem>>)
      %add3A_226 = arith.constant 3 : i32
      %add3A_227 = arith.addi %add3A_135, %add3A_226 : i32
      %dma_wait3A_228 = arith.constant 0 : i32
      %dma_wait3A_229 = tpu.memref_slice %arg5[%dma_wait3A_228] : memref<512xi32, #tpu.memory_space<vmem>> -> memref<32xi32, #tpu.memory_space<vmem>>
      %dma_wait3A_230 = arith.constant 0 : i32
      %dma_wait3A_231 = arith.constant 0 : i32
      %dma_wait3A_232 = tpu.memref_slice %arg3[%dma_wait3A_230, %dma_wait3A_231] : memref<100000x768xf32, #tpu.memory_space<hbm>> -> memref<100000x768xf32, #tpu.memory_space<hbm>>
      tpu.wait_indirect_dma semaphore(%arg11 : memref<!tpu.dma_semaphore, #tpu.memory_space<semaphore_mem>>) src(%dma_wait3A_232 : memref<100000x768xf32, #tpu.memory_space<hbm>>) dst(%arg7 : memref<32x768xf32, #tpu.memory_space<vmem>>)
      %mul3A_233 = arith.constant 32 : i32
      %mul3A_234 = arith.muli %add3A_227, %mul3A_233 : i32
      %add3A_235 = arith.addi %mul3A_32, %mul3A_234 : i32
      %dma_start3A_236 = arith.constant 0 : i32
      %dma_start3A_237 = tpu.memref_slice %arg4[%select_n3A, %add3A_235, %dma_start3A_236] : memref<4x4096x768xf32, #tpu.memory_space<hbm>> -> memref<1x32x768xf32, #tpu.memory_space<hbm>>
      %dma_start3A_238 = tpu.memref_squeeze %dma_start3A_237 : memref<1x32x768xf32, #tpu.memory_space<hbm>> -> memref<32x768xf32, #tpu.memory_space<hbm>>
      %dma_start3A_239 = arith.constant 0 : i32
      %dma_start3A_240 = tpu.memref_slice %arg4[%select_n3A, %add3A_235, %dma_start3A_239] : memref<4x4096x768xf32, #tpu.memory_space<hbm>> -> memref<1x32x768xf32, #tpu.memory_space<hbm>>
      %dma_start3A_241 = tpu.memref_squeeze %dma_start3A_240 : memref<1x32x768xf32, #tpu.memory_space<hbm>> -> memref<32x768xf32, #tpu.memory_space<hbm>>
      tpu.enqueue_dma source(%arg7 : memref<32x768xf32, #tpu.memory_space<vmem>>) target(%dma_start3A_241 : memref<32x768xf32, #tpu.memory_space<hbm>>) target_semaphore(%arg15 : memref<!tpu.dma_semaphore, #tpu.memory_space<semaphore_mem>>)
      %dma_wait3A_242 = arith.constant 0 : i32
      %dma_wait3A_243 = tpu.memref_slice %arg4[%select_n3A, %mul3A_32, %dma_wait3A_242] : memref<4x4096x768xf32, #tpu.memory_space<hbm>> -> memref<1x32x768xf32, #tpu.memory_space<hbm>>
      %dma_wait3A_244 = tpu.memref_squeeze %dma_wait3A_243 : memref<1x32x768xf32, #tpu.memory_space<hbm>> -> memref<32x768xf32, #tpu.memory_space<hbm>>
      %dma_wait3A_245 = arith.constant 0 : i32
      %dma_wait3A_246 = tpu.memref_slice %arg4[%select_n3A, %mul3A_32, %dma_wait3A_245] : memref<4x4096x768xf32, #tpu.memory_space<hbm>> -> memref<1x32x768xf32, #tpu.memory_space<hbm>>
      %dma_wait3A_247 = tpu.memref_squeeze %dma_wait3A_246 : memref<1x32x768xf32, #tpu.memory_space<hbm>> -> memref<32x768xf32, #tpu.memory_space<hbm>>
      tpu.wait_dma2 semaphore(%arg17 : memref<!tpu.dma_semaphore, #tpu.memory_space<semaphore_mem>>) src(%arg9 : memref<32x768xf32, #tpu.memory_space<vmem>>) dst(%dma_wait3A_247 : memref<32x768xf32, #tpu.memory_space<hbm>>)
      %add3A_248 = arith.constant 2 : i32
      %add3A_249 = arith.addi %add3A_227, %add3A_248 : i32
      %mul3A_250 = arith.constant 32 : i32
      %mul3A_251 = arith.muli %add3A_249, %mul3A_250 : i32
      %dma_start3A_252 = tpu.memref_slice %arg5[%mul3A_251] : memref<512xi32, #tpu.memory_space<vmem>> -> memref<32xi32, #tpu.memory_space<vmem>>
      %dma_start3A_253 = arith.constant 0 : i32
      %dma_start3A_254 = arith.constant 0 : i32
      %dma_start3A_255 = tpu.memref_slice %arg3[%dma_start3A_253, %dma_start3A_254] : memref<100000x768xf32, #tpu.memory_space<hbm>> -> memref<100000x768xf32, #tpu.memory_space<hbm>>
      tpu.enqueue_indirect_dma source(%dma_start3A_255 : memref<100000x768xf32, #tpu.memory_space<hbm>>) target(%arg9 : memref<32x768xf32, #tpu.memory_space<vmem>>) offsets(%dma_start3A_252 : memref<32xi32, #tpu.memory_space<vmem>>) semaphore(%arg13 : memref<!tpu.dma_semaphore, #tpu.memory_space<semaphore_mem>>)
    }
    %scan3A_80 = arith.constant 3 : i32
    %dma_wait3A_81 = arith.constant 0 : i32
    %dma_wait3A_82 = tpu.memref_slice %arg5[%dma_wait3A_81] : memref<512xi32, #tpu.memory_space<vmem>> -> memref<32xi32, #tpu.memory_space<vmem>>
    %dma_wait3A_83 = arith.constant 0 : i32
    %dma_wait3A_84 = arith.constant 0 : i32
    %dma_wait3A_85 = tpu.memref_slice %arg3[%dma_wait3A_83, %dma_wait3A_84] : memref<100000x768xf32, #tpu.memory_space<hbm>> -> memref<100000x768xf32, #tpu.memory_space<hbm>>
    tpu.wait_indirect_dma semaphore(%arg12 : memref<!tpu.dma_semaphore, #tpu.memory_space<semaphore_mem>>) src(%dma_wait3A_85 : memref<100000x768xf32, #tpu.memory_space<hbm>>) dst(%arg8 : memref<32x768xf32, #tpu.memory_space<vmem>>)
    %add3A_86 = arith.constant 448 : i32
    %add3A_87 = arith.addi %mul3A_32, %add3A_86 : i32
    %dma_start3A_88 = arith.constant 0 : i32
    %dma_start3A_89 = tpu.memref_slice %arg4[%select_n3A, %add3A_87, %dma_start3A_88] : memref<4x4096x768xf32, #tpu.memory_space<hbm>> -> memref<1x32x768xf32, #tpu.memory_space<hbm>>
    %dma_start3A_90 = tpu.memref_squeeze %dma_start3A_89 : memref<1x32x768xf32, #tpu.memory_space<hbm>> -> memref<32x768xf32, #tpu.memory_space<hbm>>
    %dma_start3A_91 = arith.constant 0 : i32
    %dma_start3A_92 = tpu.memref_slice %arg4[%select_n3A, %add3A_87, %dma_start3A_91] : memref<4x4096x768xf32, #tpu.memory_space<hbm>> -> memref<1x32x768xf32, #tpu.memory_space<hbm>>
    %dma_start3A_93 = tpu.memref_squeeze %dma_start3A_92 : memref<1x32x768xf32, #tpu.memory_space<hbm>> -> memref<32x768xf32, #tpu.memory_space<hbm>>
    tpu.enqueue_dma source(%arg8 : memref<32x768xf32, #tpu.memory_space<vmem>>) target(%dma_start3A_93 : memref<32x768xf32, #tpu.memory_space<hbm>>) target_semaphore(%arg16 : memref<!tpu.dma_semaphore, #tpu.memory_space<semaphore_mem>>)
    %dma_wait3A_94 = arith.constant 0 : i32
    %dma_wait3A_95 = tpu.memref_slice %arg4[%select_n3A, %mul3A_32, %dma_wait3A_94] : memref<4x4096x768xf32, #tpu.memory_space<hbm>> -> memref<1x32x768xf32, #tpu.memory_space<hbm>>
    %dma_wait3A_96 = tpu.memref_squeeze %dma_wait3A_95 : memref<1x32x768xf32, #tpu.memory_space<hbm>> -> memref<32x768xf32, #tpu.memory_space<hbm>>
    %dma_wait3A_97 = arith.constant 0 : i32
    %dma_wait3A_98 = tpu.memref_slice %arg4[%select_n3A, %mul3A_32, %dma_wait3A_97] : memref<4x4096x768xf32, #tpu.memory_space<hbm>> -> memref<1x32x768xf32, #tpu.memory_space<hbm>>
    %dma_wait3A_99 = tpu.memref_squeeze %dma_wait3A_98 : memref<1x32x768xf32, #tpu.memory_space<hbm>> -> memref<32x768xf32, #tpu.memory_space<hbm>>
    tpu.wait_dma2 semaphore(%arg14 : memref<!tpu.dma_semaphore, #tpu.memory_space<semaphore_mem>>) src(%arg6 : memref<32x768xf32, #tpu.memory_space<vmem>>) dst(%dma_wait3A_99 : memref<32x768xf32, #tpu.memory_space<hbm>>)
    %dma_wait3A_100 = arith.constant 0 : i32
    %dma_wait3A_101 = tpu.memref_slice %arg5[%dma_wait3A_100] : memref<512xi32, #tpu.memory_space<vmem>> -> memref<32xi32, #tpu.memory_space<vmem>>
    %dma_wait3A_102 = arith.constant 0 : i32
    %dma_wait3A_103 = arith.constant 0 : i32
    %dma_wait3A_104 = tpu.memref_slice %arg3[%dma_wait3A_102, %dma_wait3A_103] : memref<100000x768xf32, #tpu.memory_space<hbm>> -> memref<100000x768xf32, #tpu.memory_space<hbm>>
    tpu.wait_indirect_dma semaphore(%arg13 : memref<!tpu.dma_semaphore, #tpu.memory_space<semaphore_mem>>) src(%dma_wait3A_104 : memref<100000x768xf32, #tpu.memory_space<hbm>>) dst(%arg9 : memref<32x768xf32, #tpu.memory_space<vmem>>)
    %add3A_105 = arith.constant 480 : i32
    %add3A_106 = arith.addi %mul3A_32, %add3A_105 : i32
    %dma_start3A_107 = arith.constant 0 : i32
    %dma_start3A_108 = tpu.memref_slice %arg4[%select_n3A, %add3A_106, %dma_start3A_107] : memref<4x4096x768xf32, #tpu.memory_space<hbm>> -> memref<1x32x768xf32, #tpu.memory_space<hbm>>
    %dma_start3A_109 = tpu.memref_squeeze %dma_start3A_108 : memref<1x32x768xf32, #tpu.memory_space<hbm>> -> memref<32x768xf32, #tpu.memory_space<hbm>>
    %dma_start3A_110 = arith.constant 0 : i32
    %dma_start3A_111 = tpu.memref_slice %arg4[%select_n3A, %add3A_106, %dma_start3A_110] : memref<4x4096x768xf32, #tpu.memory_space<hbm>> -> memref<1x32x768xf32, #tpu.memory_space<hbm>>
    %dma_start3A_112 = tpu.memref_squeeze %dma_start3A_111 : memref<1x32x768xf32, #tpu.memory_space<hbm>> -> memref<32x768xf32, #tpu.memory_space<hbm>>
    tpu.enqueue_dma source(%arg9 : memref<32x768xf32, #tpu.memory_space<vmem>>) target(%dma_start3A_112 : memref<32x768xf32, #tpu.memory_space<hbm>>) target_semaphore(%arg17 : memref<!tpu.dma_semaphore, #tpu.memory_space<semaphore_mem>>)
    %dma_wait3A_113 = arith.constant 0 : i32
    %dma_wait3A_114 = tpu.memref_slice %arg4[%select_n3A, %mul3A_32, %dma_wait3A_113] : memref<4x4096x768xf32, #tpu.memory_space<hbm>> -> memref<1x32x768xf32, #tpu.memory_space<hbm>>
    %dma_wait3A_115 = tpu.memref_squeeze %dma_wait3A_114 : memref<1x32x768xf32, #tpu.memory_space<hbm>> -> memref<32x768xf32, #tpu.memory_space<hbm>>
    %dma_wait3A_116 = arith.constant 0 : i32
    %dma_wait3A_117 = tpu.memref_slice %arg4[%select_n3A, %mul3A_32, %dma_wait3A_116] : memref<4x4096x768xf32, #tpu.memory_space<hbm>> -> memref<1x32x768xf32, #tpu.memory_space<hbm>>
    %dma_wait3A_118 = tpu.memref_squeeze %dma_wait3A_117 : memref<1x32x768xf32, #tpu.memory_space<hbm>> -> memref<32x768xf32, #tpu.memory_space<hbm>>
    tpu.wait_dma2 semaphore(%arg15 : memref<!tpu.dma_semaphore, #tpu.memory_space<semaphore_mem>>) src(%arg7 : memref<32x768xf32, #tpu.memory_space<vmem>>) dst(%dma_wait3A_118 : memref<32x768xf32, #tpu.memory_space<hbm>>)
    %dma_wait3A_119 = arith.constant 0 : i32
    %dma_wait3A_120 = tpu.memref_slice %arg4[%select_n3A, %mul3A_32, %dma_wait3A_119] : memref<4x4096x768xf32, #tpu.memory_space<hbm>> -> memref<1x32x768xf32, #tpu.memory_space<hbm>>
    %dma_wait3A_121 = tpu.memref_squeeze %dma_wait3A_120 : memref<1x32x768xf32, #tpu.memory_space<hbm>> -> memref<32x768xf32, #tpu.memory_space<hbm>>
    %dma_wait3A_122 = arith.constant 0 : i32
    %dma_wait3A_123 = tpu.memref_slice %arg4[%select_n3A, %mul3A_32, %dma_wait3A_122] : memref<4x4096x768xf32, #tpu.memory_space<hbm>> -> memref<1x32x768xf32, #tpu.memory_space<hbm>>
    %dma_wait3A_124 = tpu.memref_squeeze %dma_wait3A_123 : memref<1x32x768xf32, #tpu.memory_space<hbm>> -> memref<32x768xf32, #tpu.memory_space<hbm>>
    tpu.wait_dma2 semaphore(%arg16 : memref<!tpu.dma_semaphore, #tpu.memory_space<semaphore_mem>>) src(%arg8 : memref<32x768xf32, #tpu.memory_space<vmem>>) dst(%dma_wait3A_124 : memref<32x768xf32, #tpu.memory_space<hbm>>)
    %dma_wait3A_125 = arith.constant 0 : i32
    %dma_wait3A_126 = tpu.memref_slice %arg4[%select_n3A, %mul3A_32, %dma_wait3A_125] : memref<4x4096x768xf32, #tpu.memory_space<hbm>> -> memref<1x32x768xf32, #tpu.memory_space<hbm>>
    %dma_wait3A_127 = tpu.memref_squeeze %dma_wait3A_126 : memref<1x32x768xf32, #tpu.memory_space<hbm>> -> memref<32x768xf32, #tpu.memory_space<hbm>>
    %dma_wait3A_128 = arith.constant 0 : i32
    %dma_wait3A_129 = tpu.memref_slice %arg4[%select_n3A, %mul3A_32, %dma_wait3A_128] : memref<4x4096x768xf32, #tpu.memory_space<hbm>> -> memref<1x32x768xf32, #tpu.memory_space<hbm>>
    %dma_wait3A_130 = tpu.memref_squeeze %dma_wait3A_129 : memref<1x32x768xf32, #tpu.memory_space<hbm>> -> memref<32x768xf32, #tpu.memory_space<hbm>>
    tpu.wait_dma2 semaphore(%arg17 : memref<!tpu.dma_semaphore, #tpu.memory_space<semaphore_mem>>) src(%arg9 : memref<32x768xf32, #tpu.memory_space<vmem>>) dst(%dma_wait3A_130 : memref<32x768xf32, #tpu.memory_space<hbm>>)
    return
  }
}

</mosaic_0001>

<sc_bundles>
// kernel: kernel.3.cloned.1.call-start
scs
__scs_entry_jumppad:
0x0: {  	(pc) =	sbr.rel $0x88, $3  }
0x1: {  	(tag) =	ssettag $0x0;
	lr =	simm.s32 $0x1  }
0x2: {  	[smem:$0x3F9F] =	sst lr;
	_ =	strace $0xD0000000  }
0x3: {  	_ = 	snop  }
0x4: {  	_ = 	snop  }
0x5: {  	_ = 	snop  }
0x6: {  	_ = 	snop  }
0x7: {  	_ = 	snop  }
__scs_overlays_trampoline_lowered:
0x8: {  	[smem:$0x3FAE] =	sst s0  }
0x9: {  	[smem:$0x3FAF] =	sst s1  }
0xa: {  	[smem:$0x3FB0] =	sst s2  }
0xb: {  	[smem:$0x3FB1] =	sst s3  }
0xc: {  	[smem:$0x3FB2] =	sst s4  }
0xd: {  	[smem:$0x3FB3] =	sst s5  }
0xe: {  	[smem:$0x3FB4] =	sst s6  }
0xf: {  	[smem:$0x3FB5] =	sst s7  }
0x10: {  	[smem:$0x3FB6] =	sst s8  }
0x11: {  	[smem:$0x3FB7] =	sst s9;
	s0 =	simm.s32 @!p0 $0x0  }
0x12: {  	s1 =	sld [smem:$0x3F9D];
	s0 =	simm.s32 @p0 $0x1  }
0x13: {  	[smem:$0x3FB8] =	sst s0;
	s0 =	simm.s32 @!p1 $0x0  }
0x14: {  	s2 =	sld [smem:$0x3F9C];
	s0 =	simm.s32 @p1 $0x1  }
0x15: {  	[smem:$0x3FB9] =	sst s0;
	s0 =	simm.s32 @!p2 $0x0  }
0x16: {  	s3 =	sld [smem:$0x3FDB];
	s0 =	simm.s32 @p2 $0x1  }
0x17: {  	s4 =	simm.s32 $0x1BF5;
	[smem:$0x3FBB] =	sst s0  }
0x18: {  	s0 =	sld [smem:$0x3F9E];
	_ =	swait.ge [sflag:s4], $0x0  }
0x19: {  	s7 =	sld [smem:$0x3F9F]  }
0x1a: {  	s8 =	sadd.s32 $0xFFFFE003, lr  }
0x1b: {  	s9 =	sadd.s32 $0xFFFFFEF7, lr;
	s5 =	simm.s32 $0xFFFFFFFF;
	p2 =	slt.u32 s8, $0xFFFFF086  }
0x1c: {  	p1 =	slt.u32 s9, $0xF7A;
	s5 =	simm.s32 @!p2 $0x0  }
0x1d: {  	s5 =	simm.s32 @p1 $0x1;
	p0 =	seq.s32 s7, s2  }
0x1e: {  	s7 =	smul.u32 @!p0 $0xF7A, s2;
	p2 =	seq.s32 @!p0 s5, $0x0  }
0x1f: {  	s9 =	smul.u32 $0xF7A, s1;
	s8 =	simm.s32 @!p0 $0x1BF5;
	p2 =	por !p2, p0  }
0x20: {  	[sflag:s8] =	ssyncset.s32 @!p0 $0xFFFFF086;
	s6 =	sadd.s32 @!p0 s3, s7;
	s7 =	simm.s32 @!p0 $0x108  }
0x21: {  	s3 =	sadd.s32 s3, s9;
	s6 =	sadd.s32 @!p0 $0x88, s6;
	s7 =	simm.s32 @p2 $0x1082  }
0x22: {  	[simem:s7], [sflag:s8] =	dma.local @!p0 [hbm:s6], $0xF7A  }
0x23: {  	s9 =	sor.u32 $0xD0000000, s2;
	s6 =	simm.s32 $0x108;
	_ =	swait.ge @!p0 [sflag:s8], $0x0  }
0x24: {  	s3 =	sadd.s32 $0x88, s3;
	s6 =	simm.s32 @!p1 $0x1082;
	[sflag:s4] =	ssyncset.s32 $0xFFFFF086  }
0x25: {  	[simem:s6], [sflag:s4] =	dma.local [hbm:s3], $0xF7A  }
0x26: {  	[smem:$0x3F9F] =	sst s1;
	(tag) =	ssettag s2;
	_ =	strace s9  }
0x27: {  	s1 =	sld [smem:$0x3FAF]  }
0x28: {  	s2 =	sld [smem:$0x3FB0]  }
0x29: {  	s4 =	sld [smem:$0x3FB2]  }
0x2a: {  	p0 =	seq.s32 s5, $0x0;
	s5 =	sld [smem:$0x3FB3]  }
0x2b: {  	s6 =	sld [smem:$0x3FB4]  }
0x2c: {  	s7 =	sld [smem:$0x3FB5]  }
0x2d: {  	s3 =	simm.s32 $0x108;
	s8 =	sld [smem:$0x3FB6]  }
0x2e: {  	s3 =	simm.s32 @!p0 $0x1082;
	s9 =	sld [smem:$0x3FB7]  }
0x2f: {  	lr =	sadd.s32 s0, s3;
	s0 =	sld [smem:$0x3FAE]  }
0x30: {  	s3 =	sld [smem:$0x3FB1]  }
0x31: {  	[smem:$0x3FBA] =	sst s10  }
0x32: {  	s10 =	sld [smem:$0x3FB8];
	_ =	sdelay $0x3  }
0x33: {  	p0 =	seq.s32 s10, $0x1;
	s10 =	sld [smem:$0x3FBA];
	_ =	sdelay $0x3  }
0x34: {  	[smem:$0x3FBA] =	sst s10  }
0x35: {  	s10 =	sld [smem:$0x3FB9];
	_ =	sdelay $0x3  }
0x36: {  	p1 =	seq.s32 s10, $0x1;
	s10 =	sld [smem:$0x3FBA];
	_ =	sdelay $0x3  }
0x37: {  	[smem:$0x3FBA] =	sst s10  }
0x38: {  	s10 =	sld [smem:$0x3FBB]  }
0x39: {  	_ = 	snop;
	(pc) =	sbr.ind lr, $3  }
0x3a: {  	_ = 	snop  }
0x3b: {  	_ = 	snop  }
0x3c: {  	p2 =	seq.s32 s10, $0x1;
	s10 =	sld [smem:$0x3FBA]  }
0x3d: {  	_ =	shalt  }
0x3e: {  	_ =	shalt  }
0x3f: {  	_ =	shalt  }
0x40: {  	_ =	shalt  }
0x41: {  	_ =	shalt  }
0x42: {  	_ =	shalt  }
0x43: {  	_ =	shalt  }
0x44: {  	_ =	shalt  }
0x45: {  	_ =	shalt  }
0x46: {  	_ =	shalt  }
0x47: {  	_ =	shalt  }
0x48: {  	_ =	shalt  }
0x49: {  	_ =	shalt  }
0x4a: {  	_ =	shalt  }
0x4b: {  	_ =	shalt  }
0x4c: {  	_ =	shalt  }
0x4d: {  	_ =	shalt  }
0x4e: {  	_ =	shalt  }
0x4f: {  	_ =	shalt  }
0x50: {  	_ =	shalt  }
0x51: {  	_ =	shalt  }
0x52: {  	_ =	shalt  }
0x53: {  	_ =	shalt  }
0x54: {  	_ =	shalt  }
0x55: {  	_ =	shalt  }
0x56: {  	_ =	shalt  }
0x57: {  	_ =	shalt  }
0x58: {  	_ =	shalt  }
0x59: {  	_ =	shalt  }
0x5a: {  	_ =	shalt  }
0x5b: {  	_ =	shalt  }
0x5c: {  	_ =	shalt  }
0x5d: {  	_ =	shalt  }
0x5e: {  	_ =	shalt  }
0x5f: {  	_ =	shalt  }
0x60: {  	_ =	shalt  }
0x61: {  	_ =	shalt  }
0x62: {  	_ =	shalt  }
0x63: {  	_ =	shalt  }
0x64: {  	_ =	shalt  }
0x65: {  	_ =	shalt  }
0x66: {  	_ =	shalt  }
0x67: {  	_ =	shalt  }
0x68: {  	_ =	shalt  }
0x69: {  	_ =	shalt  }
0x6a: {  	_ =	shalt  }
0x6b: {  	_ =	shalt  }
0x6c: {  	_ =	shalt  }
0x6d: {  	_ =	shalt  }
0x6e: {  	_ =	shalt  }
0x6f: {  	_ =	shalt  }
0x70: {  	_ =	shalt  }
0x71: {  	_ =	shalt  }
0x72: {  	_ =	shalt  }
0x73: {  	_ =	shalt  }
0x74: {  	_ =	shalt  }
0x75: {  	_ =	shalt  }
0x76: {  	_ =	shalt  }
0x77: {  	_ =	shalt  }
0x78: {  	_ =	shalt  }
0x79: {  	_ =	shalt  }
0x7a: {  	_ =	shalt  }
0x7b: {  	_ =	shalt  }
0x7c: {  	_ =	shalt  }
0x7d: {  	_ =	shalt  }
0x7e: {  	_ =	shalt  }
0x7f: {  	_ =	shalt  }
0x80: {  	_ =	shalt  }
0x81: {  	_ =	shalt  }
0x82: {  	_ =	shalt  }
0x83: {  	_ =	shalt  }
0x84: {  	_ =	shalt  }
0x85: {  	_ =	shalt  }
0x86: {  	_ =	shalt  }
0x87: {  	_ =	shalt  }
.Lfunc_end0:
.L_simem_size_0:
called_computation_lowered:
.L_overlay_start_0:
0x88: {  	s2 =	sld [smem:$0x3FD9]  }
0x89: {  	s3 =	sld [smem:$0x3FFE];
	_ =	sdelay $0x1  }
0x8a: {  	s1 =	srdreg.scid  }
0x8b: {  	s0 =	sand.u32 $0x1, s1  }
0x8c: {  	s18 =	sshll.u32 s0, $0xA;
	s2 =	sadd.s32 s3, s2  }
0x8d: {  	s2 =	sadd.s32 s2, s18  }
0x8e: {  	[smem:$0x3FC6] =	sst s2  }
0x8f: {  	_ = 	snop  }
0x90: {  	s2 =	sld [smem:$0x3FC9]  }
0x91: {  	s19 =	sld [smem:$0x3FC8]  }
0x92: {  	s4 =	sld [smem:$0x3FD0];
	(tm) =	ssettm $0x1  }
0x93: {  	s5 =	sld [smem:$0x3FFB];
	_ =	sdelay $0x3  }
0x94: {  	_ =	strace s5  }
0x95: {  	s5 =	sld [smem:$0x3FFC];
	_ =	sdelay $0x3  }
0x96: {  	_ =	strace s5  }
0x97: {  	s5 =	sld [smem:$0x3FFD];
	_ =	sdelay $0x3  }
0x98: {  	_ =	strace s5  }
0x99: {  	_ =	strace $0x8FFFFFFF  }
0x9a: {  	s20 =	sld [smem:$0x3FDB];
	_ =	sdelay $0x1  }
0x9b: {  	s6 =	simm.s32 $_scs_section_size  }
0x9c: {  	s7 =	simm.s32 $_size__tile_overlayer_lowered;
	s8 =	simm.s32 $_tile_overlayer_lowered  }
0x9d: {  	s23 =	simm.s32 $0x1BFF;
	s22 =	sshll.u32 s8, $0x1;
	s5 =	sadd.s32 s6, s20  }
0x9e: {  	s9 =	simm.s32 $0x0;
	s21 =	sshll.u32 s7, $0x1;
	s7 =	sadd.s32 s22, s5  }
0x9f: {  	[timem:s9], [sflag:s23] =	dma.local [hbm:s7], s21  }
0xa0: {  	_ =	swait.ge [sflag:s23], s21  }
0xa1: {  	s6 =	ssub.s32 $0x0, s21;
	[sflag:s23] =	ssyncset.done $0x0  }
0xa2: {  	[sflag:s23] =	ssyncadd.s32 s6;
	_ =	sdelay $0x1  }
0xa3: {  	s24 =	simm.s32 $0x1B8B  }
0xa4: {  	_ =	swait.ge [sflag:s24], $0x1  }
0xa5: {  	[sflag:s24] =	ssyncset.done $0x0  }
0xa6: {  	s25 =	simm.s32 $0x1B8E;
	[sflag:s24] =	ssyncadd.s32 $0xFFFFFFFF  }
0xa7: {  	s26 =	simm.s32 $execute0_lowered;
	[smem:$0x3FD2] =	sst s25  }
0xa8: {  	s6 =	sshll.u32 s26, $0x1;
	_ =	strace $0x80000046;
	[dreg:$0x1] =	wrdreg $0xFFFFFFFF  }
0xa9: {  	s28 =	simm.s32 $_size_execute0_lowered;
	s5 =	sadd.s32 s5, s6;
	[dreg:$0x0] =	wrdreg $0x0  }
0xaa: {  	s6 =	sshll.u32 s28, $0x1;
	[dreg:$0x2] =	wrdreg s5  }
0xab: {  	[dreg:$0x3] =	wrdreg s6  }
0xac: {  	[dreg:$0x4] =	wrdreg $0xC0  }
0xad: {  	_ =	task [dreg:s9], $0x5FFFF  }
0xae: {  	[dreg:$0x1] =	wrdreg $0xFFFFFFFF  }
0xaf: {  	[dreg:$0x0] =	wrdreg $0x60  }
0xb0: {  	[dreg:$0x2] =	wrdreg s2  }
0xb1: {  	[dreg:$0x3] =	wrdreg s19  }
0xb2: {  	[dreg:$0x4] =	wrdreg s4  }
0xb3: {  	[dreg:$0x5] =	wrdreg $0x9  }
0xb4: {  	_ =	task.clear_ibuf [dreg:s9], $0x6FFFF;
	_ =	strace $0x90000046  }
0xb5: {  	s29 =	simm.s32 $0x9;
	_ =	strace $0x80000048  }
0xb6: {  	_ =	swait.ge [sflag:s29], $0x1  }
0xb7: {  	[sflag:s29] =	ssyncadd.s32 $0xFFFFFFFF  }
0xb8: {  	_ =	strace $0x90000048  }
0xb9: {  	_ =	sfence  }
0xba: {  	s30 =	sld [smem:$0x0];
	_ =	sdelay $0x2  }
0xbb: {  	s31 =	sshll.u32 s1, $0xD;
	s1 =	sshrl.u32 s1, $0x2  }
0xbc: {  	s3 =	sand.u32 $0x4000, s31;
	s1 =	sadd.s32 s1, s30  }
0xbd: {  	s0 =	sor.u32 s3, s0;
	s1 =	sshll.u32 s1, $0x11  }
0xbe: {  	s0 =	sor.u32 s1, s0  }
0xbf: {  	s0 =	sadd.s32 $0x8F2B, s0  }
0xc0: {  	[sflag:s0] =	ssyncadd.remote.s32 $0x1  }
0xc1: {  	_ =	sfence.sel $0xFFFF  }
0xc2: {  	[dreg:$0x0] =	wrdreg $0xFFFFFFFF;
	(pc) =	sbr.abs _section_cstart, $3  }
0xc3: {  	[dreg:$0x1] =	wrdreg $0xFFFFFFFF  }
0xc4: {  	_ =	task.clear_ibuf [dreg:s9], $0x2FFFF;
	_ =	strace $0x9FFFFFFF  }
0xc5: {  	(tm) =	ssettm $0x7FFFFFFF  }
tec
execute0_lowered:
.L_overlay_start_1:
0x0: {  	(tag) =	ssettag $0x1  }
0x1: {  	s0 =	rddreg [dreg:$0x0]  }
0x2: {  	s1 =	rddreg [dreg:$0x1]  }
0x3: {  	s2 =	rddreg [dreg:$0x2];
	s3 =	simm.s32 $0x0;
	s4 =	srdreg.scid  }
0x4: {  	s10 =	stileid.u32;
	s31 =	simm.s32 $0x200;
	s28 =	simm.s32 $0x2200  }
0x5: {  	s30 =	simm.s32 $0x3200;
	s12 =	simm.s32 $0x4A00;
	s13 =	simm.s32 $0x7200  }
0x6: {  	s29 =	simm.s32 $0xC200;
	s14 =	simm.s32 $0x3;
	[smem:$0x7FF] =	sst s3  }
0x7: {  	s4 =	sand.u32 $0x1, s4;
	s6 =	sshll.u32 s10, $0x1;
	s8 =	sshrl.u32 s10, $0x2  }
0x8: {  	s17 =	sand.u32 $0x3, s10;
	_ =	strace $0x80000047;
	s5 =	ssub.s32 $0x2, s4  }
0x9: {  	s6 =	sand.u32 $0x6, s6;
	s16 =	sshll.u32 s8, $0x4;
	s8 =	smul.u32 $0x300000, s8  }
0xa: {  	s7 =	sshrl.u32 s5, $0x1;
	s15 =	sor.u32 s4, s6;
	s0 =	sadd.s32 s0, s16  }
0xb: {  	s6 =	sshll.u32 s17, $0xA;
	s4 =	sshll.u32 s4, $0x9;
	s16 =	simm.s32 $0x4  }
0xc: {  	s17 =	simm.s32 $0x6;
	s7 =	ssub.s32 s5, s7;
	s9 =	sshll.u32 s15, $0x8  }
0xd: {  	s18 =	smul.u32 $0x60000, s15;
	s4 =	sor.u32 s4, s6;
	s5 =	sadd.s32 $0x100, s1  }
0xe: {  	s6 =	sadd.s32 $0x200, s1;
	s15 =	simm.s32 $0x5;
	s0 =	sadd.s32 s9, s0  }
0xf: {  	s19 =	sor.u32 $0x80, s4;
	s20 =	sor.u32 $0xA0, s4;
	s4 =	sshrl.u32 s4, $0x3  }
0x10: {  	s7 =	smax.u32 s7, $0x1;
	[dreg:$0x8] =	wrdreg s0;
	s0 =	sadd.s32 s8, s18  }
0x11: {  	s9 =	sshrl.u32 s19, $0x3;
	s10 =	sshrl.u32 s20, $0x3;
	s4 =	smul.u32 $0x1800, s4  }
0x12: {  	[dreg:$0xd] =	wrdreg s7;
	s7 =	simm.s32 $0x2;
	s18 =	simm.s32 $0x7  }
0x13: {  	s19 =	simm.s32 $0x8;
	s0 =	sshrl.u32 s0, $0x3;
	s9 =	smul.u32 $0x1800, s9  }
0x14: {  	s21 =	smul.u32 $0x1800, s10;
	s10 =	simm.s32 $0x1;
	s11 =	sadd.s32 s2, s0  }
0x15: {  	s4 =	sadd.s32 s4, s8;
	s22 =	sadd.s32 $0xC00, s11;
	s9 =	sadd.s32 s9, s8  }
0x16: {  	s23 =	sadd.s32 $0xA800, s11;
	[dreg:$0x9] =	wrdreg s11;
	s24 =	sadd.s32 $0xB400, s11  }
0x17: {  	s0 =	sadd.s32 s21, s8;
	s8 =	sor.u32 $0xC000, s4;
	[dreg:$0xa] =	wrdreg s22  }
0x18: {  	s4 =	sor.u32 $0x12000, s4;
	s11 =	simm.s32 $0x7A00;
	[dreg:$0xb] =	wrdreg s23  }
0x19: {  	s21 =	simm.s32 $0x0;
	[dreg:$0xc] =	wrdreg s24;
	s9 =	sshrl.u32 s9, $0x3  }
0x1a: {  	s0 =	sshrl.u32 s0, $0x3;
	s8 =	sshrl.u32 s8, $0x3;
	s4 =	sshrl.u32 s4, $0x3  }
0x1b: {  	s22 =	simm.s32 $0xA00;
	s23 =	simm.s32 $0x1200;
	s9 =	sadd.s32 s9, s2  }
0x1c: {  	s24 =	simm.s32 $0x12200;
	s0 =	sadd.s32 s0, s2;
	[dreg:$0x4] =	wrdreg s9  }
0x1d: {  	s25 =	sadd.s32 s8, s2;
	s26 =	sadd.s32 s4, s2;
	[dreg:$0x5] =	wrdreg s0  }
0x1e: {  	v2 =	vlaneseq.u32;
	s2 =	simm.s32 $0x4200;
	s4 =	simm.s32 $0x5200;
	[dreg:$0x6] =	wrdreg s25  }
0x1f: {  	vm0 =	vmmov $0xffff;
	v1 =	vshrl.u32 v2, $0x3;
	s8 =	simm.s32 $0x5A00;
	[dreg:$0x7] =	wrdreg s26;
	s25 =	simm.s32 $0x1A00  }
0x20: {  	v0 =	vand.u32 $0x7, v2;
	v2 =	vor.u32 $0x8, v2;
	v1 =	vmul.u32 $0x8, v1;
	s26 =	simm.s32 $0x2A00;
	s0 =	simm.s32 $0x3A00;
	s9 =	simm.s32 $0x6A00  }
.LBB2_1:
0x21: {  	[dreg:$0xe] =	wrdreg s21  }
0x22: {  	s20 =	rddreg [dreg:$0x8];
	s21 =	simm.s32 $0x80  }
0x23: {  	[tilespmem:s3], [sflag:$0x9] =	stream.strided.gather [hbm4b:s20+s21], $0x200, s31, s21, $0x38;
	[tilespmem:$0x18200] =	vst v63  }
0x24: {  	s21 =	simm.s32 $0x9  }
0x25: {  	_ =	swait.ge [sflag:s21], $0x200  }
0x26: {  	[sflag:s21] =	ssyncset.done $0x0  }
0x27: {  	[sflag:s21] =	ssyncadd.s32 $0xFFFFFE00  }
0x28: {  	v3 =	vld [tilespmem:$0x0];
	_ =	sdelay $0x4  }
0x29: {  	v4 =	vshrl.u32 v3, $0x3  }
0x2a: {  	v4 =	vmul.u32 $0x30, v4  }
0x2b: {  	v3 =	vand.u32 $0x7, v3  }
0x2c: {  	v3 =	vor.u32 v3, v4  }
0x2d: {  	v4 =	vperm.xlane v3, v0;
	_ =	sdelay $0x1  }
0x2e: {  	v4 =	vadd.s32 v1, v4;
	_ =	sdelay $0x3  }
0x2f: {  	v3 =	vperm.xlane v3, v2  }
0x30: {  	[tilespmem:s31], [sflag:$0x1] =	stream.indirect_vreg.gather [hbm4b:s1+s3], $0x80, v4, vm0, $0xb8;
	[tilespmem:$0x18200] =	vst v63  }
0x31: {  	v3 =	vadd.s32 v1, v3  }
0x32: {  	[tilespmem:s22], [sflag:$0x1] =	stream.indirect_vreg.gather [hbm4b:s5+s3], $0x80, v4, vm0, $0xb8;
	[tilespmem:$0x18200] =	vst v63  }
0x33: {  	_ = 	snop  }
0x34: {  	[tilespmem:s23], [sflag:$0x1] =	stream.indirect_vreg.gather [hbm4b:s6+s3], $0x80, v4, vm0, $0xb8;
	[tilespmem:$0x18200] =	vst v63  }
0x35: {  	_ = 	snop  }
0x36: {  	[tilespmem:s25], [sflag:$0x1] =	stream.indirect_vreg.gather [hbm4b:s1+s3], $0x80, v3, vm0, $0xb8;
	[tilespmem:$0x18200] =	vst v63  }
0x37: {  	_ = 	snop  }
0x38: {  	[tilespmem:s28], [sflag:$0x1] =	stream.indirect_vreg.gather [hbm4b:s5+s3], $0x80, v3, vm0, $0xb8;
	[tilespmem:$0x18200] =	vst v63  }
0x39: {  	_ = 	snop  }
0x3a: {  	[tilespmem:s26], [sflag:$0x1] =	stream.indirect_vreg.gather [hbm4b:s6+s3], $0x80, v3, vm0, $0xb8;
	[tilespmem:$0x18200] =	vst v63  }
0x3b: {  	v3 =	vld [tilespmem:$0x10];
	_ =	sdelay $0x4  }
0x3c: {  	v57 =	vshrl.u32 v3, $0x3  }
0x3d: {  	v4 =	vmul.u32 $0x30, v57  }
0x3e: {  	v3 =	vand.u32 $0x7, v3  }
0x3f: {  	v3 =	vor.u32 v3, v4  }
0x40: {  	v4 =	vperm.xlane v3, v0;
	_ =	sdelay $0x1  }
0x41: {  	v4 =	vadd.s32 v1, v4;
	_ =	sdelay $0x3  }
0x42: {  	v3 =	vperm.xlane v3, v2  }
0x43: {  	[tilespmem:s30], [sflag:$0x1] =	stream.indirect_vreg.gather [hbm4b:s1+s3], $0x80, v4, vm0, $0xb8;
	[tilespmem:$0x18200] =	vst v63  }
0x44: {  	v3 =	vadd.s32 v1, v3  }
0x45: {  	[tilespmem:s0], [sflag:$0x1] =	stream.indirect_vreg.gather [hbm4b:s5+s3], $0x80, v4, vm0, $0xb8;
	[tilespmem:$0x18200] =	vst v63  }
0x46: {  	_ = 	snop  }
0x47: {  	[tilespmem:s2], [sflag:$0x1] =	stream.indirect_vreg.gather [hbm4b:s6+s3], $0x80, v4, vm0, $0xb8;
	[tilespmem:$0x18200] =	vst v63  }
0x48: {  	_ = 	snop  }
0x49: {  	[tilespmem:s12], [sflag:$0x1] =	stream.indirect_vreg.gather [hbm4b:s1+s3], $0x80, v3, vm0, $0xb8;
	[tilespmem:$0x18200] =	vst v63  }
0x4a: {  	_ = 	snop  }
0x4b: {  	[tilespmem:s4], [sflag:$0x1] =	stream.indirect_vreg.gather [hbm4b:s5+s3], $0x80, v3, vm0, $0xb8;
	[tilespmem:$0x18200] =	vst v63  }
0x4c: {  	_ = 	snop  }
0x4d: {  	[tilespmem:s8], [sflag:$0x1] =	stream.indirect_vreg.gather [hbm4b:s6+s3], $0x80, v3, vm0, $0xb8;
	[tilespmem:$0x18200] =	vst v63  }
0x4e: {  	v3 =	vld [tilespmem:$0x20];
	_ =	sdelay $0x4  }
0x4f: {  	v58 =	vshrl.u32 v3, $0x3  }
0x50: {  	v4 =	vmul.u32 $0x30, v58  }
0x51: {  	v3 =	vand.u32 $0x7, v3  }
0x52: {  	v3 =	vor.u32 v3, v4  }
0x53: {  	v4 =	vperm.xlane v3, v0;
	_ =	sdelay $0x1  }
0x54: {  	v4 =	vadd.s32 v1, v4;
	_ =	sdelay $0x3  }
0x55: {  	s2 =	simm.s32 $0x6200;
	v3 =	vperm.xlane v3, v2  }
0x56: {  	[tilespmem:s2], [sflag:$0x2] =	stream.indirect_vreg.gather [hbm4b:s1+s3], $0x80, v4, vm0, $0xb8;
	[tilespmem:$0x18200] =	vst v63  }
0x57: {  	v3 =	vadd.s32 v1, v3  }
0x58: {  	[tilespmem:s9], [sflag:$0x2] =	stream.indirect_vreg.gather [hbm4b:s5+s3], $0x80, v4, vm0, $0xb8;
	[tilespmem:$0x18200] =	vst v63  }
0x59: {  	_ = 	snop  }
0x5a: {  	[tilespmem:s13], [sflag:$0x2] =	stream.indirect_vreg.gather [hbm4b:s6+s3], $0x80, v4, vm0, $0xb8;
	[tilespmem:$0x18200] =	vst v63  }
0x5b: {  	_ = 	snop  }
0x5c: {  	[tilespmem:s11], [sflag:$0x2] =	stream.indirect_vreg.gather [hbm4b:s1+s3], $0x80, v3, vm0, $0xb8;
	[tilespmem:$0x18200] =	vst v63  }
0x5d: {  	s21 =	simm.s32 $0x8200  }
0x5e: {  	[tilespmem:s21], [sflag:$0x2] =	stream.indirect_vreg.gather [hbm4b:s5+s3], $0x80, v3, vm0, $0xb8;
	[tilespmem:$0x18200] =	vst v63  }
0x5f: {  	s22 =	simm.s32 $0x8A00  }
0x60: {  	[tilespmem:s22], [sflag:$0x2] =	stream.indirect_vreg.gather [hbm4b:s6+s3], $0x80, v3, vm0, $0xb8;
	[tilespmem:$0x18200] =	vst v63  }
0x61: {  	v3 =	vld [tilespmem:$0x30];
	_ =	sdelay $0x4  }
0x62: {  	v59 =	vshrl.u32 v3, $0x3  }
0x63: {  	v4 =	vmul.u32 $0x30, v59  }
0x64: {  	v3 =	vand.u32 $0x7, v3  }
0x65: {  	v3 =	vor.u32 v3, v4  }
0x66: {  	v4 =	vperm.xlane v3, v0;
	_ =	sdelay $0x1  }
0x67: {  	v4 =	vadd.s32 v1, v4;
	_ =	sdelay $0x3  }
0x68: {  	s23 =	simm.s32 $0x9200;
	v3 =	vperm.xlane v3, v2  }
0x69: {  	[tilespmem:s23], [sflag:$0x2] =	stream.indirect_vreg.gather [hbm4b:s1+s3], $0x80, v4, vm0, $0xb8;
	[tilespmem:$0x18200] =	vst v63  }
0x6a: {  	s25 =	simm.s32 $0x9A00;
	v3 =	vadd.s32 v1, v3  }
0x6b: {  	[tilespmem:s25], [sflag:$0x2] =	stream.indirect_vreg.gather [hbm4b:s5+s3], $0x80, v4, vm0, $0xb8;
	[tilespmem:$0x18200] =	vst v63  }
0x6c: {  	s26 =	simm.s32 $0xA200  }
0x6d: {  	[tilespmem:s26], [sflag:$0x2] =	stream.indirect_vreg.gather [hbm4b:s6+s3], $0x80, v4, vm0, $0xb8;
	[tilespmem:$0x18200] =	vst v63  }
0x6e: {  	s4 =	simm.s32 $0xAA00  }
0x6f: {  	[tilespmem:s4], [sflag:$0x2] =	stream.indirect_vreg.gather [hbm4b:s1+s3], $0x80, v3, vm0, $0xb8;
	[tilespmem:$0x18200] =	vst v63  }
0x70: {  	s8 =	simm.s32 $0xB200  }
0x71: {  	[tilespmem:s8], [sflag:$0x2] =	stream.indirect_vreg.gather [hbm4b:s5+s3], $0x80, v3, vm0, $0xb8;
	[tilespmem:$0x18200] =	vst v63  }
0x72: {  	s9 =	simm.s32 $0xBA00  }
0x73: {  	[tilespmem:s9], [sflag:$0x2] =	stream.indirect_vreg.gather [hbm4b:s6+s3], $0x80, v3, vm0, $0xb8;
	[tilespmem:$0x18200] =	vst v63  }
0x74: {  	v3 =	vld [tilespmem:$0x40];
	_ =	sdelay $0x4  }
0x75: {  	v60 =	vshrl.u32 v3, $0x3  }
0x76: {  	v4 =	vmul.u32 $0x30, v60  }
0x77: {  	v3 =	vand.u32 $0x7, v3  }
0x78: {  	v3 =	vor.u32 v3, v4  }
0x79: {  	v4 =	vperm.xlane v3, v0;
	_ =	sdelay $0x1  }
0x7a: {  	v4 =	vadd.s32 v1, v4;
	_ =	sdelay $0x3  }
0x7b: {  	v3 =	vperm.xlane v3, v2  }
0x7c: {  	[tilespmem:s29], [sflag:$0x3] =	stream.indirect_vreg.gather [hbm4b:s1+s3], $0x80, v4, vm0, $0xb8;
	[tilespmem:$0x18200] =	vst v63  }
0x7d: {  	s11 =	simm.s32 $0xCA00;
	v3 =	vadd.s32 v1, v3  }
0x7e: {  	[tilespmem:s11], [sflag:$0x3] =	stream.indirect_vreg.gather [hbm4b:s5+s3], $0x80, v4, vm0, $0xb8;
	[tilespmem:$0x18200] =	vst v63  }
0x7f: {  	s12 =	simm.s32 $0xD200  }
0x80: {  	[tilespmem:s12], [sflag:$0x3] =	stream.indirect_vreg.gather [hbm4b:s6+s3], $0x80, v4, vm0, $0xb8;
	[tilespmem:$0x18200] =	vst v63  }
0x81: {  	s13 =	simm.s32 $0xDA00  }
0x82: {  	[tilespmem:s13], [sflag:$0x3] =	stream.indirect_vreg.gather [hbm4b:s1+s3], $0x80, v3, vm0, $0xb8;
	[tilespmem:$0x18200] =	vst v63  }
0x83: {  	s20 =	simm.s32 $0xE200  }
0x84: {  	[tilespmem:s20], [sflag:$0x3] =	stream.indirect_vreg.gather [hbm4b:s5+s3], $0x80, v3, vm0, $0xb8;
	[tilespmem:$0x18200] =	vst v63  }
0x85: {  	s21 =	simm.s32 $0xEA00  }
0x86: {  	[tilespmem:s21], [sflag:$0x3] =	stream.indirect_vreg.gather [hbm4b:s6+s3], $0x80, v3, vm0, $0xb8;
	[tilespmem:$0x18200] =	vst v63  }
0x87: {  	v3 =	vld [tilespmem:$0x50];
	_ =	sdelay $0x4  }
0x88: {  	v61 =	vshrl.u32 v3, $0x3  }
0x89: {  	v4 =	vmul.u32 $0x30, v61  }
0x8a: {  	v3 =	vand.u32 $0x7, v3  }
0x8b: {  	v3 =	vor.u32 v3, v4  }
0x8c: {  	v4 =	vperm.xlane v3, v0;
	_ =	sdelay $0x1  }
0x8d: {  	v4 =	vadd.s32 v1, v4;
	_ =	sdelay $0x3  }
0x8e: {  	s22 =	simm.s32 $0xF200;
	v3 =	vperm.xlane v3, v2  }
0x8f: {  	[tilespmem:s22], [sflag:$0x3] =	stream.indirect_vreg.gather [hbm4b:s1+s3], $0x80, v4, vm0, $0xb8;
	[tilespmem:$0x18200] =	vst v63  }
0x90: {  	s23 =	simm.s32 $0xFA00;
	v3 =	vadd.s32 v1, v3  }
0x91: {  	[tilespmem:s23], [sflag:$0x3] =	stream.indirect_vreg.gather [hbm4b:s5+s3], $0x80, v4, vm0, $0xb8;
	[tilespmem:$0x18200] =	vst v63  }
0x92: {  	s25 =	simm.s32 $0x10200  }
0x93: {  	[tilespmem:s25], [sflag:$0x3] =	stream.indirect_vreg.gather [hbm4b:s6+s3], $0x80, v4, vm0, $0xb8;
	[tilespmem:$0x18200] =	vst v63  }
0x94: {  	s26 =	simm.s32 $0x10A00  }
0x95: {  	[tilespmem:s26], [sflag:$0x3] =	stream.indirect_vreg.gather [hbm4b:s1+s3], $0x80, v3, vm0, $0xb8;
	[tilespmem:$0x18200] =	vst v63  }
0x96: {  	s29 =	simm.s32 $0x11200  }
0x97: {  	[tilespmem:s29], [sflag:$0x3] =	stream.indirect_vreg.gather [hbm4b:s5+s3], $0x80, v3, vm0, $0xb8;
	[tilespmem:$0x18200] =	vst v63  }
0x98: {  	s4 =	simm.s32 $0x11A00  }
0x99: {  	[tilespmem:s4], [sflag:$0x3] =	stream.indirect_vreg.gather [hbm4b:s6+s3], $0x80, v3, vm0, $0xb8;
	[tilespmem:$0x18200] =	vst v63  }
0x9a: {  	v3 =	vld [tilespmem:$0x60];
	_ =	sdelay $0x4  }
0x9b: {  	v62 =	vshrl.u32 v3, $0x3  }
0x9c: {  	v4 =	vmul.u32 $0x30, v62  }
0x9d: {  	v3 =	vand.u32 $0x7, v3  }
0x9e: {  	v3 =	vor.u32 v3, v4  }
0x9f: {  	v4 =	vperm.xlane v3, v0;
	_ =	sdelay $0x1  }
0xa0: {  	v4 =	vadd.s32 v1, v4;
	_ =	sdelay $0x3  }
0xa1: {  	v3 =	vperm.xlane v3, v2  }
0xa2: {  	[tilespmem:s24], [sflag:$0x4] =	stream.indirect_vreg.gather [hbm4b:s1+s3], $0x80, v4, vm0, $0xb8;
	[tilespmem:$0x18200] =	vst v63  }
0xa3: {  	s8 =	simm.s32 $0x12A00;
	v3 =	vadd.s32 v1, v3  }
0xa4: {  	[tilespmem:s8], [sflag:$0x4] =	stream.indirect_vreg.gather [hbm4b:s5+s3], $0x80, v4, vm0, $0xb8;
	[tilespmem:$0x18200] =	vst v63  }
0xa5: {  	s9 =	simm.s32 $0x13200  }
0xa6: {  	[tilespmem:s9], [sflag:$0x4] =	stream.indirect_vreg.gather [hbm4b:s6+s3], $0x80, v4, vm0, $0xb8;
	[tilespmem:$0x18200] =	vst v63  }
0xa7: {  	s11 =	simm.s32 $0x13A00  }
0xa8: {  	[tilespmem:s11], [sflag:$0x4] =	stream.indirect_vreg.gather [hbm4b:s1+s3], $0x80, v3, vm0, $0xb8;
	[tilespmem:$0x18200] =	vst v63  }
0xa9: {  	s12 =	simm.s32 $0x14200  }
0xaa: {  	[tilespmem:s12], [sflag:$0x4] =	stream.indirect_vreg.gather [hbm4b:s5+s3], $0x80, v3, vm0, $0xb8;
	[tilespmem:$0x18200] =	vst v63  }
0xab: {  	s13 =	simm.s32 $0x14A00  }
0xac: {  	[tilespmem:s13], [sflag:$0x4] =	stream.indirect_vreg.gather [hbm4b:s6+s3], $0x80, v3, vm0, $0xb8;
	[tilespmem:$0x18200] =	vst v63  }
0xad: {  	v3 =	vld [tilespmem:$0x70];
	_ =	sdelay $0x4  }
0xae: {  	v63 =	vshrl.u32 v3, $0x3  }
0xaf: {  	v4 =	vmul.u32 $0x30, v63  }
0xb0: {  	v3 =	vand.u32 $0x7, v3  }
0xb1: {  	v3 =	vor.u32 v3, v4  }
0xb2: {  	v4 =	vperm.xlane v3, v0;
	_ =	sdelay $0x1  }
0xb3: {  	v4 =	vadd.s32 v1, v4;
	_ =	sdelay $0x3  }
0xb4: {  	s20 =	simm.s32 $0x15200;
	v3 =	vperm.xlane v3, v2  }
0xb5: {  	[tilespmem:s20], [sflag:$0x4] =	stream.indirect_vreg.gather [hbm4b:s1+s3], $0x80, v4, vm0, $0xb8;
	[tilespmem:$0x18200] =	vst v63  }
0xb6: {  	s21 =	simm.s32 $0x15A00;
	v3 =	vadd.s32 v1, v3  }
0xb7: {  	[tilespmem:s21], [sflag:$0x4] =	stream.indirect_vreg.gather [hbm4b:s5+s3], $0x80, v4, vm0, $0xb8;
	[tilespmem:$0x18200] =	vst v63  }
0xb8: {  	s22 =	simm.s32 $0x16200  }
0xb9: {  	[tilespmem:s22], [sflag:$0x4] =	stream.indirect_vreg.gather [hbm4b:s6+s3], $0x80, v4, vm0, $0xb8;
	[tilespmem:$0x18200] =	vst v63  }
0xba: {  	s23 =	simm.s32 $0x16A00  }
0xbb: {  	[tilespmem:s23], [sflag:$0x4] =	stream.indirect_vreg.gather [hbm4b:s1+s3], $0x80, v3, vm0, $0xb8;
	[tilespmem:$0x18200] =	vst v63  }
0xbc: {  	s25 =	simm.s32 $0x17200  }
0xbd: {  	[tilespmem:s25], [sflag:$0x4] =	stream.indirect_vreg.gather [hbm4b:s5+s3], $0x80, v3, vm0, $0xb8;
	[tilespmem:$0x18200] =	vst v63  }
0xbe: {  	s28 =	simm.s32 $0x1A00;
	s30 =	simm.s32 $0x2A00;
	s26 =	simm.s32 $0x17A00  }
0xbf: {  	[tilespmem:s26], [sflag:$0x4] =	stream.indirect_vreg.gather [hbm4b:s6+s3], $0x80, v3, vm0, $0xb8;
	[tilespmem:$0x18200] =	vst v63  }
0xc0: {  	s0 =	simm.s32 $0x3A00;
	s4 =	simm.s32 $0x5200;
	_ =	swait.ge [sflag:s10], $0x6000  }
0xc1: {  	s8 =	simm.s32 $0x5A00;
	s9 =	simm.s32 $0x6A00;
	[sflag:s10] =	ssyncset.done $0x0  }
0xc2: {  	s11 =	simm.s32 $0x6200;
	s29 =	rddreg [dreg:$0x9];
	[sflag:s10] =	ssyncadd.s32 $0xFFFFA000  }
0xc3: {  	[hbm4b:s29+s3] =	stream.linear.scatter [tilespmem:s31], [sflag:$0x5], $0x6000, $0x38;
	[tilespmem:$0x18200] =	vst v63  }
0xc4: {  	s12 =	simm.s32 $0x4A00;
	s13 =	simm.s32 $0x7200;
	_ =	swait.ge [sflag:s7], $0x6000  }
0xc5: {  	s20 =	simm.s32 $0xF0;
	s21 =	simm.s32 $0x0;
	[sflag:s7] =	ssyncset.done $0x0  }
0xc6: {  	s23 =	simm.s32 $0xA00;
	s31 =	rddreg [dreg:$0xa];
	[sflag:s7] =	ssyncadd.s32 $0xFFFFA000  }
0xc7: {  	[hbm4b:s31+s3] =	stream.linear.scatter [tilespmem:s2], [sflag:$0x6], $0x6000, $0x38;
	[tilespmem:$0x18200] =	vst v63  }
0xc8: {  	s25 =	simm.s32 $0x7A00;
	s26 =	simm.s32 $0x200;
	s2 =	simm.s32 $0x4200  }
.LBB2_2:
0xc9: {  	_ =	swait.ge [sflag:s14], $0x6000  }
0xca: {  	s22 =	rddreg [dreg:$0x6];
	[sflag:s14] =	ssyncset.done $0x0  }
0xcb: {  	s31 =	simm.s32 $0xC200;
	[sflag:s14] =	ssyncadd.s32 $0xFFFFA000;
	s22 =	sadd.s32 s21, s22  }
0xcc: {  	[hbm4b:s22+s3] =	stream.linear.scatter [tilespmem:s31], [sflag:$0x7], $0x6000, $0x38;
	[tilespmem:$0x18200] =	vst v63  }
0xcd: {  	_ =	swait.ge [sflag:s15], $0x6000  }
0xce: {  	[sflag:s15] =	ssyncset.done $0x0  }
0xcf: {  	[sflag:s15] =	ssyncadd.s32 $0xFFFFA000  }
0xd0: {  	v3 =	vld [tilespmem:s20+$0xFFFFFF90];
	_ =	sdelay $0x4  }
0xd1: {  	v4 =	vshrl.u32 v3, $0x3  }
0xd2: {  	v4 =	vmul.u32 $0x30, v4  }
0xd3: {  	v3 =	vand.u32 $0x7, v3  }
0xd4: {  	v3 =	vor.u32 v3, v4  }
0xd5: {  	v4 =	vperm.xlane v3, v0;
	_ =	sdelay $0x1  }
0xd6: {  	v4 =	vadd.s32 v1, v4;
	_ =	sdelay $0x3  }
0xd7: {  	v3 =	vperm.xlane v3, v2  }
0xd8: {  	[tilespmem:s26], [sflag:$0x1] =	stream.indirect_vreg.gather [hbm4b:s1+s3], $0x80, v4, vm0, $0xb8;
	[tilespmem:$0x18200] =	vst v63  }
0xd9: {  	v3 =	vadd.s32 v1, v3  }
0xda: {  	[tilespmem:s23], [sflag:$0x1] =	stream.indirect_vreg.gather [hbm4b:s5+s3], $0x80, v4, vm0, $0xb8;
	[tilespmem:$0x18200] =	vst v63  }
0xdb: {  	s22 =	simm.s32 $0x1200  }
0xdc: {  	[tilespmem:s22], [sflag:$0x1] =	stream.indirect_vreg.gather [hbm4b:s6+s3], $0x80, v4, vm0, $0xb8;
	[tilespmem:$0x18200] =	vst v63  }
0xdd: {  	_ = 	snop  }
0xde: {  	[tilespmem:s28], [sflag:$0x1] =	stream.indirect_vreg.gather [hbm4b:s1+s3], $0x80, v3, vm0, $0xb8;
	[tilespmem:$0x18200] =	vst v63  }
0xdf: {  	s22 =	simm.s32 $0x2200  }
0xe0: {  	[tilespmem:s22], [sflag:$0x1] =	stream.indirect_vreg.gather [hbm4b:s5+s3], $0x80, v3, vm0, $0xb8;
	[tilespmem:$0x18200] =	vst v63  }
0xe1: {  	_ = 	snop  }
0xe2: {  	[tilespmem:s30], [sflag:$0x1] =	stream.indirect_vreg.gather [hbm4b:s6+s3], $0x80, v3, vm0, $0xb8;
	[tilespmem:$0x18200] =	vst v63  }
0xe3: {  	v3 =	vld [tilespmem:s20+$0xFFFFFFA0];
	_ =	sdelay $0x4  }
0xe4: {  	v57 =	vshrl.u32 v3, $0x3  }
0xe5: {  	v4 =	vmul.u32 $0x30, v57  }
0xe6: {  	v3 =	vand.u32 $0x7, v3  }
0xe7: {  	v3 =	vor.u32 v3, v4  }
0xe8: {  	v4 =	vperm.xlane v3, v0;
	_ =	sdelay $0x1  }
0xe9: {  	v4 =	vadd.s32 v1, v4;
	_ =	sdelay $0x3  }
0xea: {  	s22 =	simm.s32 $0x3200;
	v3 =	vperm.xlane v3, v2  }
0xeb: {  	[tilespmem:s22], [sflag:$0x1] =	stream.indirect_vreg.gather [hbm4b:s1+s3], $0x80, v4, vm0, $0xb8;
	[tilespmem:$0x18200] =	vst v63  }
0xec: {  	v3 =	vadd.s32 v1, v3  }
0xed: {  	[tilespmem:s0], [sflag:$0x1] =	stream.indirect_vreg.gather [hbm4b:s5+s3], $0x80, v4, vm0, $0xb8;
	[tilespmem:$0x18200] =	vst v63  }
0xee: {  	_ = 	snop  }
0xef: {  	[tilespmem:s2], [sflag:$0x1] =	stream.indirect_vreg.gather [hbm4b:s6+s3], $0x80, v4, vm0, $0xb8;
	[tilespmem:$0x18200] =	vst v63  }
0xf0: {  	_ = 	snop  }
0xf1: {  	[tilespmem:s12], [sflag:$0x1] =	stream.indirect_vreg.gather [hbm4b:s1+s3], $0x80, v3, vm0, $0xb8;
	[tilespmem:$0x18200] =	vst v63  }
0xf2: {  	_ = 	snop  }
0xf3: {  	[tilespmem:s4], [sflag:$0x1] =	stream.indirect_vreg.gather [hbm4b:s5+s3], $0x80, v3, vm0, $0xb8;
	[tilespmem:$0x18200] =	vst v63  }
0xf4: {  	_ = 	snop  }
0xf5: {  	[tilespmem:s8], [sflag:$0x1] =	stream.indirect_vreg.gather [hbm4b:s6+s3], $0x80, v3, vm0, $0xb8;
	[tilespmem:$0x18200] =	vst v63  }
0xf6: {  	_ =	swait.ge [sflag:s16], $0x6000  }
0xf7: {  	s22 =	rddreg [dreg:$0x7];
	[sflag:s16] =	ssyncset.done $0x0  }
0xf8: {  	[sflag:s16] =	ssyncadd.s32 $0xFFFFA000;
	s22 =	sadd.s32 s21, s22  }
0xf9: {  	[hbm4b:s22+s3] =	stream.linear.scatter [tilespmem:s24], [sflag:$0x8], $0x6000, $0x38;
	[tilespmem:$0x18200] =	vst v63  }
0xfa: {  	_ =	swait.ge [sflag:s17], $0x6000  }
0xfb: {  	[sflag:s17] =	ssyncset.done $0x0  }
0xfc: {  	[sflag:s17] =	ssyncadd.s32 $0xFFFFA000  }
0xfd: {  	v3 =	vld [tilespmem:s20+$0xFFFFFFB0];
	_ =	sdelay $0x4  }
0xfe: {  	v58 =	vshrl.u32 v3, $0x3  }
0xff: {  	v4 =	vmul.u32 $0x30, v58  }
0x100: {  	v3 =	vand.u32 $0x7, v3  }
0x101: {  	v3 =	vor.u32 v3, v4  }
0x102: {  	v4 =	vperm.xlane v3, v0;
	_ =	sdelay $0x1  }
0x103: {  	v4 =	vadd.s32 v1, v4;
	_ =	sdelay $0x3  }
0x104: {  	v3 =	vperm.xlane v3, v2  }
0x105: {  	[tilespmem:s11], [sflag:$0x2] =	stream.indirect_vreg.gather [hbm4b:s1+s3], $0x80, v4, vm0, $0xb8;
	[tilespmem:$0x18200] =	vst v63  }
0x106: {  	v3 =	vadd.s32 v1, v3  }
0x107: {  	[tilespmem:s9], [sflag:$0x2] =	stream.indirect_vreg.gather [hbm4b:s5+s3], $0x80, v4, vm0, $0xb8;
	[tilespmem:$0x18200] =	vst v63  }
0x108: {  	_ = 	snop  }
0x109: {  	[tilespmem:s13], [sflag:$0x2] =	stream.indirect_vreg.gather [hbm4b:s6+s3], $0x80, v4, vm0, $0xb8;
	[tilespmem:$0x18200] =	vst v63  }
0x10a: {  	_ = 	snop  }
0x10b: {  	[tilespmem:s25], [sflag:$0x2] =	stream.indirect_vreg.gather [hbm4b:s1+s3], $0x80, v3, vm0, $0xb8;
	[tilespmem:$0x18200] =	vst v63  }
0x10c: {  	s22 =	simm.s32 $0x8200  }
0x10d: {  	[tilespmem:s22], [sflag:$0x2] =	stream.indirect_vreg.gather [hbm4b:s5+s3], $0x80, v3, vm0, $0xb8;
	[tilespmem:$0x18200] =	vst v63  }
0x10e: {  	s22 =	simm.s32 $0x8A00  }
0x10f: {  	[tilespmem:s22], [sflag:$0x2] =	stream.indirect_vreg.gather [hbm4b:s6+s3], $0x80, v3, vm0, $0xb8;
	[tilespmem:$0x18200] =	vst v63  }
0x110: {  	v3 =	vld [tilespmem:s20+$0xFFFFFFC0];
	_ =	sdelay $0x4  }
0x111: {  	v59 =	vshrl.u32 v3, $0x3  }
0x112: {  	v4 =	vmul.u32 $0x30, v59  }
0x113: {  	v3 =	vand.u32 $0x7, v3  }
0x114: {  	v3 =	vor.u32 v3, v4  }
0x115: {  	v4 =	vperm.xlane v3, v0;
	_ =	sdelay $0x1  }
0x116: {  	v4 =	vadd.s32 v1, v4;
	_ =	sdelay $0x3  }
0x117: {  	s22 =	simm.s32 $0x9200;
	v3 =	vperm.xlane v3, v2  }
0x118: {  	[tilespmem:s22], [sflag:$0x2] =	stream.indirect_vreg.gather [hbm4b:s1+s3], $0x80, v4, vm0, $0xb8;
	[tilespmem:$0x18200] =	vst v63  }
0x119: {  	v3 =	vadd.s32 v1, v3;
	s22 =	simm.s32 $0x9A00  }
0x11a: {  	[tilespmem:s22], [sflag:$0x2] =	stream.indirect_vreg.gather [hbm4b:s5+s3], $0x80, v4, vm0, $0xb8;
	[tilespmem:$0x18200] =	vst v63  }
0x11b: {  	s22 =	simm.s32 $0xA200  }
0x11c: {  	[tilespmem:s22], [sflag:$0x2] =	stream.indirect_vreg.gather [hbm4b:s6+s3], $0x80, v4, vm0, $0xb8;
	[tilespmem:$0x18200] =	vst v63  }
0x11d: {  	s22 =	simm.s32 $0xAA00  }
0x11e: {  	[tilespmem:s22], [sflag:$0x2] =	stream.indirect_vreg.gather [hbm4b:s1+s3], $0x80, v3, vm0, $0xb8;
	[tilespmem:$0x18200] =	vst v63  }
0x11f: {  	s22 =	simm.s32 $0xB200  }
0x120: {  	[tilespmem:s22], [sflag:$0x2] =	stream.indirect_vreg.gather [hbm4b:s5+s3], $0x80, v3, vm0, $0xb8;
	[tilespmem:$0x18200] =	vst v63  }
0x121: {  	s22 =	simm.s32 $0xBA00  }
0x122: {  	[tilespmem:s22], [sflag:$0x2] =	stream.indirect_vreg.gather [hbm4b:s6+s3], $0x80, v3, vm0, $0xb8;
	[tilespmem:$0x18200] =	vst v63  }
0x123: {  	_ =	swait.ge [sflag:s10], $0x6000  }
0x124: {  	s22 =	rddreg [dreg:$0x4];
	[sflag:s10] =	ssyncset.done $0x0  }
0x125: {  	[sflag:s10] =	ssyncadd.s32 $0xFFFFA000;
	s22 =	sadd.s32 s21, s22  }
0x126: {  	[hbm4b:s22+s3] =	stream.linear.scatter [tilespmem:s26], [sflag:$0x5], $0x6000, $0x38;
	[tilespmem:$0x18200] =	vst v63  }
0x127: {  	_ =	swait.ge [sflag:s18], $0x6000  }
0x128: {  	[sflag:s18] =	ssyncset.done $0x0  }
0x129: {  	[sflag:s18] =	ssyncadd.s32 $0xFFFFA000  }
0x12a: {  	v3 =	vld [tilespmem:s20+$0xFFFFFFD0];
	_ =	sdelay $0x4  }
0x12b: {  	v60 =	vshrl.u32 v3, $0x3  }
0x12c: {  	v4 =	vmul.u32 $0x30, v60  }
0x12d: {  	v3 =	vand.u32 $0x7, v3  }
0x12e: {  	v3 =	vor.u32 v3, v4  }
0x12f: {  	v4 =	vperm.xlane v3, v0;
	_ =	sdelay $0x1  }
0x130: {  	v4 =	vadd.s32 v1, v4;
	_ =	sdelay $0x3  }
0x131: {  	v3 =	vperm.xlane v3, v2  }
0x132: {  	[tilespmem:s31], [sflag:$0x3] =	stream.indirect_vreg.gather [hbm4b:s1+s3], $0x80, v4, vm0, $0xb8;
	[tilespmem:$0x18200] =	vst v63  }
0x133: {  	v3 =	vadd.s32 v1, v3;
	s31 =	simm.s32 $0xCA00  }
0x134: {  	[tilespmem:s31], [sflag:$0x3] =	stream.indirect_vreg.gather [hbm4b:s5+s3], $0x80, v4, vm0, $0xb8;
	[tilespmem:$0x18200] =	vst v63  }
0x135: {  	s31 =	simm.s32 $0xD200  }
0x136: {  	[tilespmem:s31], [sflag:$0x3] =	stream.indirect_vreg.gather [hbm4b:s6+s3], $0x80, v4, vm0, $0xb8;
	[tilespmem:$0x18200] =	vst v63  }
0x137: {  	s31 =	simm.s32 $0xDA00  }
0x138: {  	[tilespmem:s31], [sflag:$0x3] =	stream.indirect_vreg.gather [hbm4b:s1+s3], $0x80, v3, vm0, $0xb8;
	[tilespmem:$0x18200] =	vst v63  }
0x139: {  	s31 =	simm.s32 $0xE200  }
0x13a: {  	[tilespmem:s31], [sflag:$0x3] =	stream.indirect_vreg.gather [hbm4b:s5+s3], $0x80, v3, vm0, $0xb8;
	[tilespmem:$0x18200] =	vst v63  }
0x13b: {  	s31 =	simm.s32 $0xEA00  }
0x13c: {  	[tilespmem:s31], [sflag:$0x3] =	stream.indirect_vreg.gather [hbm4b:s6+s3], $0x80, v3, vm0, $0xb8;
	[tilespmem:$0x18200] =	vst v63  }
0x13d: {  	v3 =	vld [tilespmem:s20+$0xFFFFFFE0];
	_ =	sdelay $0x4  }
0x13e: {  	v61 =	vshrl.u32 v3, $0x3  }
0x13f: {  	v4 =	vmul.u32 $0x30, v61  }
0x140: {  	v3 =	vand.u32 $0x7, v3  }
0x141: {  	v3 =	vor.u32 v3, v4  }
0x142: {  	v4 =	vperm.xlane v3, v0;
	_ =	sdelay $0x1  }
0x143: {  	v4 =	vadd.s32 v1, v4;
	_ =	sdelay $0x3  }
0x144: {  	s31 =	simm.s32 $0xF200;
	v3 =	vperm.xlane v3, v2  }
0x145: {  	[tilespmem:s31], [sflag:$0x3] =	stream.indirect_vreg.gather [hbm4b:s1+s3], $0x80, v4, vm0, $0xb8;
	[tilespmem:$0x18200] =	vst v63  }
0x146: {  	v3 =	vadd.s32 v1, v3;
	s31 =	simm.s32 $0xFA00  }
0x147: {  	[tilespmem:s31], [sflag:$0x3] =	stream.indirect_vreg.gather [hbm4b:s5+s3], $0x80, v4, vm0, $0xb8;
	[tilespmem:$0x18200] =	vst v63  }
0x148: {  	s31 =	simm.s32 $0x10200  }
0x149: {  	[tilespmem:s31], [sflag:$0x3] =	stream.indirect_vreg.gather [hbm4b:s6+s3], $0x80, v4, vm0, $0xb8;
	[tilespmem:$0x18200] =	vst v63  }
0x14a: {  	s31 =	simm.s32 $0x10A00  }
0x14b: {  	[tilespmem:s31], [sflag:$0x3] =	stream.indirect_vreg.gather [hbm4b:s1+s3], $0x80, v3, vm0, $0xb8;
	[tilespmem:$0x18200] =	vst v63  }
0x14c: {  	s31 =	simm.s32 $0x11200  }
0x14d: {  	[tilespmem:s31], [sflag:$0x3] =	stream.indirect_vreg.gather [hbm4b:s5+s3], $0x80, v3, vm0, $0xb8;
	[tilespmem:$0x18200] =	vst v63  }
0x14e: {  	s31 =	simm.s32 $0x11A00  }
0x14f: {  	[tilespmem:s31], [sflag:$0x3] =	stream.indirect_vreg.gather [hbm4b:s6+s3], $0x80, v3, vm0, $0xb8;
	[tilespmem:$0x18200] =	vst v63  }
0x150: {  	_ =	swait.ge [sflag:s7], $0x6000  }
0x151: {  	s31 =	rddreg [dreg:$0x5];
	[sflag:s7] =	ssyncset.done $0x0  }
0x152: {  	[sflag:s7] =	ssyncadd.s32 $0xFFFFA000;
	s22 =	sadd.s32 s21, s31  }
0x153: {  	[hbm4b:s22+s3] =	stream.linear.scatter [tilespmem:s11], [sflag:$0x6], $0x6000, $0x38;
	[tilespmem:$0x18200] =	vst v63  }
0x154: {  	_ =	swait.ge [sflag:s19], $0x6000  }
0x155: {  	[sflag:s19] =	ssyncset.done $0x0  }
0x156: {  	[sflag:s19] =	ssyncadd.s32 $0xFFFFA000  }
0x157: {  	v3 =	vld [tilespmem:s20+$0xFFFFFFF0];
	_ =	sdelay $0x4  }
0x158: {  	v62 =	vshrl.u32 v3, $0x3  }
0x159: {  	v4 =	vmul.u32 $0x30, v62  }
0x15a: {  	v3 =	vand.u32 $0x7, v3  }
0x15b: {  	v3 =	vor.u32 v3, v4  }
0x15c: {  	v4 =	vperm.xlane v3, v0;
	_ =	sdelay $0x1  }
0x15d: {  	v4 =	vadd.s32 v1, v4;
	_ =	sdelay $0x3  }
0x15e: {  	v3 =	vperm.xlane v3, v2  }
0x15f: {  	[tilespmem:s24], [sflag:$0x4] =	stream.indirect_vreg.gather [hbm4b:s1+s3], $0x80, v4, vm0, $0xb8;
	[tilespmem:$0x18200] =	vst v63  }
0x160: {  	s31 =	simm.s32 $0x12A00;
	v3 =	vadd.s32 v1, v3  }
0x161: {  	[tilespmem:s31], [sflag:$0x4] =	stream.indirect_vreg.gather [hbm4b:s5+s3], $0x80, v4, vm0, $0xb8;
	[tilespmem:$0x18200] =	vst v63  }
0x162: {  	s31 =	simm.s32 $0x13200  }
0x163: {  	[tilespmem:s31], [sflag:$0x4] =	stream.indirect_vreg.gather [hbm4b:s6+s3], $0x80, v4, vm0, $0xb8;
	[tilespmem:$0x18200] =	vst v63  }
0x164: {  	s31 =	simm.s32 $0x13A00  }
0x165: {  	[tilespmem:s31], [sflag:$0x4] =	stream.indirect_vreg.gather [hbm4b:s1+s3], $0x80, v3, vm0, $0xb8;
	[tilespmem:$0x18200] =	vst v63  }
0x166: {  	s31 =	simm.s32 $0x14200  }
0x167: {  	[tilespmem:s31], [sflag:$0x4] =	stream.indirect_vreg.gather [hbm4b:s5+s3], $0x80, v3, vm0, $0xb8;
	[tilespmem:$0x18200] =	vst v63  }
0x168: {  	s31 =	simm.s32 $0x14A00  }
0x169: {  	[tilespmem:s31], [sflag:$0x4] =	stream.indirect_vreg.gather [hbm4b:s6+s3], $0x80, v3, vm0, $0xb8;
	[tilespmem:$0x18200] =	vst v63  }
0x16a: {  	v3 =	vld [tilespmem:s20+$0x0];
	_ =	sdelay $0x4  }
0x16b: {  	v63 =	vshrl.u32 v3, $0x3  }
0x16c: {  	v4 =	vmul.u32 $0x30, v63  }
0x16d: {  	v3 =	vand.u32 $0x7, v3  }
0x16e: {  	v3 =	vor.u32 v3, v4  }
0x16f: {  	v4 =	vperm.xlane v3, v0;
	_ =	sdelay $0x1  }
0x170: {  	v4 =	vadd.s32 v1, v4;
	_ =	sdelay $0x3  }
0x171: {  	s31 =	simm.s32 $0x15200;
	v3 =	vperm.xlane v3, v2  }
0x172: {  	[tilespmem:s31], [sflag:$0x4] =	stream.indirect_vreg.gather [hbm4b:s1+s3], $0x80, v4, vm0, $0xb8;
	[tilespmem:$0x18200] =	vst v63  }
0x173: {  	v3 =	vadd.s32 v1, v3;
	s31 =	simm.s32 $0x15A00  }
0x174: {  	[tilespmem:s31], [sflag:$0x4] =	stream.indirect_vreg.gather [hbm4b:s5+s3], $0x80, v4, vm0, $0xb8;
	[tilespmem:$0x18200] =	vst v63  }
0x175: {  	s31 =	simm.s32 $0x16200  }
0x176: {  	[tilespmem:s31], [sflag:$0x4] =	stream.indirect_vreg.gather [hbm4b:s6+s3], $0x80, v4, vm0, $0xb8;
	[tilespmem:$0x18200] =	vst v63  }
0x177: {  	p0 =	sne.s32 s21, $0x6000;
	s31 =	simm.s32 $0x16A00  }
0x178: {  	[tilespmem:s31], [sflag:$0x4] =	stream.indirect_vreg.gather [hbm4b:s1+s3], $0x80, v3, vm0, $0xb8;
	[tilespmem:$0x18200] =	vst v63  }
.Ltmp0:
0x179: {  	_ = 	snop;
	(pc) =	sbr.rel @p0 .LBB2_2-.Ltmp0, $4  }
0x17a: {  	s29 =	simm.s32 $0xC200;
	s31 =	simm.s32 $0x17200  }
0x17b: {  	[tilespmem:s31], [sflag:$0x4] =	stream.indirect_vreg.gather [hbm4b:s5+s3], $0x80, v3, vm0, $0xb8;
	[tilespmem:$0x18200] =	vst v63  }
0x17c: {  	s21 =	sadd.s32 $0x3000, s21;
	s20 =	sadd.s32 $0x80, s20;
	s31 =	simm.s32 $0x17A00  }
0x17d: {  	[tilespmem:s31], [sflag:$0x4] =	stream.indirect_vreg.gather [hbm4b:s6+s3], $0x80, v3, vm0, $0xb8;
	[tilespmem:$0x18200] =	vst v63  }
0x17e: {  	_ =	swait.ge [sflag:s14], $0x6000  }
0x17f: {  	[sflag:s14] =	ssyncset.done $0x0  }
0x180: {  	s20 =	rddreg [dreg:$0xb];
	[sflag:s14] =	ssyncadd.s32 $0xFFFFA000  }
0x181: {  	[hbm4b:s20+s3] =	stream.linear.scatter [tilespmem:s29], [sflag:$0x7], $0x6000, $0x38;
	[tilespmem:$0x18200] =	vst v63  }
0x182: {  	_ =	swait.ge [sflag:s15], $0x6000  }
0x183: {  	[sflag:s15] =	ssyncset.done $0x0  }
0x184: {  	[sflag:s15] =	ssyncadd.s32 $0xFFFFA000  }
0x185: {  	_ =	swait.ge [sflag:s16], $0x6000  }
0x186: {  	[sflag:s16] =	ssyncset.done $0x0  }
0x187: {  	s25 =	rddreg [dreg:$0xc];
	[sflag:s16] =	ssyncadd.s32 $0xFFFFA000  }
0x188: {  	[hbm4b:s25+s3] =	stream.linear.scatter [tilespmem:s24], [sflag:$0x8], $0x6000, $0x38;
	[tilespmem:$0x18200] =	vst v63  }
0x189: {  	_ =	swait.ge [sflag:s17], $0x6000  }
0x18a: {  	[sflag:s17] =	ssyncset.done $0x0  }
0x18b: {  	[sflag:s17] =	ssyncadd.s32 $0xFFFFA000  }
0x18c: {  	_ =	swait.ge [sflag:s18], $0x6000  }
0x18d: {  	[sflag:s18] =	ssyncset.done $0x0  }
0x18e: {  	[sflag:s18] =	ssyncadd.s32 $0xFFFFA000  }
0x18f: {  	_ =	swait.ge [sflag:s19], $0x6000  }
0x190: {  	s21 =	rddreg [dreg:$0xe]  }
0x191: {  	s22 =	simm.s32 $0xA00;
	s26 =	rddreg [dreg:$0xd];
	s21 =	sadd.s32 $0x1, s21  }
0x192: {  	s23 =	simm.s32 $0x1200;
	s28 =	simm.s32 $0x2200;
	p0 =	sne.s32 s21, s26  }
.Ltmp1:
0x193: {  	s30 =	simm.s32 $0x3200;
	s0 =	simm.s32 $0x3A00;
	(pc) =	sbr.rel @p0 .LBB2_1-.Ltmp1, $4  }
0x194: {  	s2 =	simm.s32 $0x4200;
	s12 =	simm.s32 $0x4A00;
	s4 =	simm.s32 $0x5200  }
0x195: {  	s8 =	simm.s32 $0x5A00;
	s9 =	simm.s32 $0x6A00;
	s13 =	simm.s32 $0x7200  }
0x196: {  	s31 =	simm.s32 $0x200;
	s11 =	simm.s32 $0x7A00;
	[sflag:s19] =	ssyncset.done $0x0  }
0x197: {  	s25 =	simm.s32 $0x1A00;
	[sflag:s19] =	ssyncadd.s32 $0xFFFFA000;
	s26 =	simm.s32 $0x2A00  }
0x198: {  	_ =	sfence.sel $0x180000  }
0x199: {  	[bflag:$0x0] =	sbarrier.arrive $0xFFFF  }
0x19a: {  	_ =	strace $0x90000047  }
0x19b: {  	s0 =	stileid.u32;
	[bflag:$0x2] =	sbarrier.arrive $0xFFFF  }
0x19c: {  	p0 =	sne.s32 s0, $0x0;
	s0 =	rddreg [dreg:$0x3]  }
0x19d: {  	s0 =	sadd.s32 @!p0 $0x100000, s0  }
0x19e: {  	[sflag:s0] =	ssyncadd.tile.s32 @!p0 $0x1;
	_ =	shalt  }
.Lfunc_end2:
_tile_overlayer_lowered:
.L_overlay_start_2:
0x19f: {  	(tag) =	ssettag $0x2  }
0x1a0: {  	s0 =	rddreg [dreg:$0x0];
	s2 =	stileid.u32  }
0x1a1: {  	s1 =	rddreg [dreg:$0x1];
	p0 =	sne.s32 s2, $0x0  }
0x1a2: {  	s3 =	rddreg [dreg:$0x2];
	[bflag:$0x3] =	sbarrier.arrive $0xFFFF;
	s2 =	simm.s32 @!p0 $0x1C09  }
0x1a3: {  	[timem:s3], [sflag:s2] =	dma.local @!p0 [hbm:s0], s1  }
0x1a4: {  	s0 =	simm.s32 @!p0 $0x9  }
0x1a5: {  	_ =	swait.ge @!p0 [sflag:s0], s1  }
0x1a6: {  	s1 =	ssub.s32 @!p0 $0x0, s1;
	[sflag:s0] =	ssyncset.done @!p0 $0x0  }
0x1a7: {  	[sflag:s0] =	ssyncadd.s32 @!p0 s1  }
0x1a8: {  	[bflag:$0x3] =	sbarrier.arrive $0xFFFF  }
0x1a9: {  	_ =	shalt  }

</sc_bundles>
